<compile_context>
chip_gen: v7x
topology: tpu7x:2x2x1
jax: 0.10.2.dev20260603
libtpu: 0.0.44.dev20260713+nightly
codegen_flags: <defaults>
</compile_context>

<pallas_src>
import functools

import jax
import jax.numpy as jnp
from jax import lax
from jax.experimental import pallas as pl
from jax.experimental.pallas import tpu as pltpu, tpu_sc as plsc

N = 10000
E = 320000
DIN = 128
DOUT = 128
NB = 4
NR = 16

NCORES = 2
NSUB = 16
HF = DIN // 2
NBLK = 25
BN = N // NBLK
GROW = BN * NR
SLAB_ROWS = 6528
ZSH = SLAB_ROWS // NSUB
EP = E // NSUB
CHUNK = 128
CAP = EP + CHUNK + 32
CW = 16
XSH = N // NSUB


def _sc_aggregate(x_lo, x_hi, src, dst, etype):
    mesh = plsc.VectorSubcoreMesh(core_axis_name="c", subcore_axis_name="s",
                                  num_cores=NCORES, num_subcores=NSUB)

    @functools.partial(
        pl.kernel,
        out_type=(
            jax.ShapeDtypeStruct((NR * N, HF), jnp.float32),
            jax.ShapeDtypeStruct((NR * N, HF), jnp.float32),
            jax.ShapeDtypeStruct((NR * N, CW), jnp.float32),
        ),
        mesh=mesh,
        compiler_params=pltpu.CompilerParams(needs_layout_passes=False,
                                             use_tc_tiling_on_sc=False),
        scratch_types=[
            pltpu.VMEM((EP,), jnp.int32),
            pltpu.VMEM((CAP,), jnp.int32),
            pltpu.VMEM((CHUNK,), jnp.int32),
            pltpu.VMEM((CHUNK,), jnp.int32),
            pltpu.VMEM((CHUNK, HF), jnp.float32),
            pltpu.VMEM((32, HF), jnp.float32),
            pltpu.VMEM((64, CW), jnp.float32),
            pltpu.VMEM((CHUNK, CW), jnp.float32),
            pltpu.VMEM_SHARED((N, HF), jnp.float32),
            pltpu.VMEM_SHARED((SLAB_ROWS, HF), jnp.float32),
            pltpu.VMEM_SHARED((SLAB_ROWS, CW), jnp.float32),
            pltpu.SemaphoreType.DMA,
        ],
    )
    def agg(xlo_hbm, xhi_hbm, src_hbm, dst_hbm, et_hbm,
            slo_out, shi_out, cnt_out,
            b_pk, b_pkc, loc_chunk, src_chunk,
            rows_v, zbuf, zcnt, ones_v, x_sp, slab, cnt_slab, sem):
        c = lax.axis_index("c")
        s = lax.axis_index("s")
        e0 = s * EP

        zvec = jnp.zeros((16,), jnp.float32)
        onev = jnp.ones((16,), jnp.float32)

        def zrow(i, _):
            for m in range(HF // 16):
                zbuf[i, pl.ds(m * 16, 16)] = zvec
            return 0
        lax.fori_loop(0, 32, zrow, 0)

        def zrow2(i, _):
            zcnt[i, :] = zvec
            return 0
        lax.fori_loop(0, 64, zrow2, 0)

        def orow(i, _):
            ones_v[i, :] = onev
            return 0
        lax.fori_loop(0, CHUNK, orow, 0)

        @pl.when(c == 0)
        def _():
            pltpu.sync_copy(xlo_hbm.at[pl.ds(s * XSH, XSH)],
                            x_sp.at[pl.ds(s * XSH, XSH)])

        @pl.when(c == 1)
        def _():
            pltpu.sync_copy(xhi_hbm.at[pl.ds(s * XSH, XSH)],
                            x_sp.at[pl.ds(s * XSH, XSH)])

        pltpu.sync_copy(dst_hbm.at[pl.ds(e0, EP)], b_pk)
        pltpu.sync_copy(et_hbm.at[pl.ds(e0, EP)], b_pkc.at[pl.ds(0, EP)])

        def pack1(j, _):
            o = j * 16
            b_pk[pl.ds(o, 16)] = (b_pk[pl.ds(o, 16)]
                                  | (b_pkc[pl.ds(o, 16)] << 14))
            return 0
        lax.fori_loop(0, EP // 16, pack1, 0)
        pltpu.sync_copy(src_hbm.at[pl.ds(e0, EP)], b_pkc.at[pl.ds(0, EP)])

        def pack2(j, _):
            o = j * 16
            b_pk[pl.ds(o, 16)] = (b_pk[pl.ds(o, 16)]
                                  | (b_pkc[pl.ds(o, 16)] << 18))
            return 0
        lax.fori_loop(0, EP // 16, pack2, 0)
        plsc.subcore_barrier()

        def one_pass(k, _):
            d_lo = k * BN
            count_here = (k % NCORES) == c

            r0 = s * ZSH
            for m in range(ZSH // 32):
                pltpu.sync_copy(zbuf, slab.at[pl.ds(r0 + m * 32, 32)])
            pltpu.sync_copy(zbuf.at[pl.ds(0, ZSH % 32)],
                            slab.at[pl.ds(r0 + (ZSH // 32) * 32, ZSH % 32)])

            @pl.when(count_here)
            def _():
                for m in range(ZSH // 64):
                    pltpu.sync_copy(zcnt, cnt_slab.at[pl.ds(r0 + m * 64, 64)])
                pltpu.sync_copy(zcnt.at[pl.ds(0, ZSH % 64)],
                                cnt_slab.at[pl.ds(r0 + (ZSH // 64) * 64,
                                                  ZSH % 64)])
            plsc.subcore_barrier()

            def compact(j, ptr):
                o = j * 16
                v = b_pk[pl.ds(o, 16)]
                d16 = v & 0x3FFF
                m = (d16 >= d_lo) & (d16 < d_lo + BN)
                mi = m.astype(jnp.int32)
                pos = plsc.cumsum(mi) + (ptr - 1)
                plsc.store_scatter(b_pkc, [pos], v, mask=m)
                return ptr + jnp.sum(mi)
            total = lax.fori_loop(0, EP // 16, compact, 0)

            pad_pk = jnp.full((16,), 0, jnp.int32) + (d_lo + GROW)
            for m in range(CHUNK // 16):
                b_pkc[pl.ds(total + m * 16, 16)] = pad_pk

            nchunks = (total + CHUNK - 1) // CHUNK

            def fire(i, _):
                o = i * CHUNK
                for m in range(CHUNK // 16):
                    v = b_pkc[pl.ds(o + m * 16, 16)]
                    et = (v >> 14) & 0xF
                    loc_chunk[pl.ds(m * 16, 16)] = ((v & 0x3FFF) - d_lo
                                                    + et * BN)
                    src_chunk[pl.ds(m * 16, 16)] = (
                        lax.shift_right_logical(v, 18))
                pltpu.async_copy(x_sp.at[src_chunk], rows_v, sem).wait()
                pltpu.sync_copy(rows_v, slab.at[loc_chunk], add=True)

                @pl.when(count_here)
                def _():
                    pltpu.sync_copy(ones_v, cnt_slab.at[loc_chunk], add=True)
                return 0
            lax.fori_loop(0, nchunks, fire, 0)
            plsc.subcore_barrier()

            q0 = s * BN

            @pl.when(c == 0)
            def _():
                pltpu.sync_copy(slab.at[pl.ds(q0, BN)],
                                slo_out.at[pl.ds(s * N + k * BN, BN)])

            @pl.when(c == 1)
            def _():
                pltpu.sync_copy(slab.at[pl.ds(q0, BN)],
                                shi_out.at[pl.ds(s * N + k * BN, BN)])

            @pl.when(count_here)
            def _():
                pltpu.sync_copy(cnt_slab.at[pl.ds(q0, BN)],
                                cnt_out.at[pl.ds(s * N + k * BN, BN)])
            plsc.subcore_barrier()
            return 0

        lax.fori_loop(0, NBLK, one_pass, 0)

    return agg(x_lo, x_hi, src, dst, etype)


BT = 400


def _tc_body(slo_ref, shi_ref, cnt_ref, x_ref, basis_ref, comp_ref,
             wself_ref, o_ref):
    r = pl.program_id(1)
    cnt = cnt_ref[0][:, 0:1]
    inv = 1.0 / jnp.maximum(cnt, 1.0)
    h_lo = slo_ref[0] * inv
    h_hi = shi_ref[0] * inv
    cw = comp_ref[pl.ds(r, 1), :]
    w = (cw[0, 0] * basis_ref[0] + cw[0, 1] * basis_ref[1]
         + cw[0, 2] * basis_ref[2] + cw[0, 3] * basis_ref[3])
    part = (jnp.dot(h_lo, w[:HF, :], preferred_element_type=jnp.float32)
            + jnp.dot(h_hi, w[HF:, :], preferred_element_type=jnp.float32))

    @pl.when(r == 0)
    def _():
        o_ref[...] = part + jnp.dot(x_ref[...], wself_ref[...],
                                    preferred_element_type=jnp.float32)

    @pl.when(r != 0)
    def _():
        o_ref[...] += part


def _tc_dense(slo3, shi3, cnt3, x, basis, comp, w_self):
    grid = (N // BT, NR)
    return pl.pallas_call(
        _tc_body,
        grid=grid,
        in_specs=[
            pl.BlockSpec((1, BT, HF), lambda i, r: (r, i, 0)),
            pl.BlockSpec((1, BT, HF), lambda i, r: (r, i, 0)),
            pl.BlockSpec((1, BT, CW), lambda i, r: (r, i, 0)),
            pl.BlockSpec((BT, DIN), lambda i, r: (i, 0)),
            pl.BlockSpec((NB, DIN, DOUT), lambda i, r: (0, 0, 0)),
            pl.BlockSpec((NR, NB), lambda i, r: (0, 0)),
            pl.BlockSpec((DIN, DOUT), lambda i, r: (0, 0)),
        ],
        out_specs=pl.BlockSpec((BT, DOUT), lambda i, r: (i, 0)),
        out_shape=jax.ShapeDtypeStruct((N, DOUT), jnp.float32),
    )(slo3, shi3, cnt3, x, basis, comp, w_self)


def kernel(x, edge_index, edge_type, basis, comp, w_self):
    src = edge_index[0]
    dst = edge_index[1]
    x_lo = x[:, :HF]
    x_hi = x[:, HF:]
    s_lo, s_hi, cnt = _sc_aggregate(x_lo, x_hi, src, dst, edge_type)
    slo3 = s_lo.reshape(NR, N, HF)
    shi3 = s_hi.reshape(NR, N, HF)
    cnt3 = cnt.reshape(NR, N, CW)
    return _tc_dense(slo3, shi3, cnt3, x, basis, comp, w_self)

# --- scband reference (transcript-rebuilt; emitter-appended) ---
"""Pipeline reference for scband-rgcnconv-14826227106007 (READ-ONLY COPY).

The authoritative reference and input builder live on the scoring server;
editing this copy changes nothing except your own understanding.
"""

import jax, jax.numpy as jnp
import numpy as np

N = 10000      # n_nodes
E = 320000     # n_edges
DIN = 128
DOUT = 128
NB = 4         # num_basis
NR = 16        # num_rel


def setup_inputs(seed: int = 0) -> dict:
    key = jax.random.key(seed)
    k1, k2, k3, k4, k5, k6 = jax.random.split(key, 6)
    x = jax.random.normal(k1, (N, DIN), dtype=jnp.float32)
    edge_index = jax.random.randint(k2, (2, E), 0, N, dtype=jnp.int32)
    edge_type = jax.random.randint(k3, (E,), 0, NR, dtype=jnp.int32)
    # Basis decomposition params (Eq. 3 of https://arxiv.org/abs/1703.06103):
    # W_r = sum_b comp[r, b] * basis[b]
    basis = jax.random.normal(k4, (NB, DIN, DOUT), dtype=jnp.float32) * (1.0 / np.sqrt(DIN))
    comp = jax.random.normal(k5, (NR, NB), dtype=jnp.float32) * (1.0 / np.sqrt(NB))
    # self-loop weight (self_loop=True, self_rel_id handled as dedicated transform)
    w_self = jax.random.normal(k6, (DIN, DOUT), dtype=jnp.float32) * (1.0 / np.sqrt(DIN))
    return {"x": x, "edge_index": edge_index, "edge_type": edge_type,
            "basis": basis, "comp": comp, "w_self": w_self}


def reference(x, edge_index, edge_type, basis, comp, w_self):
    src = edge_index[0]
    dst = edge_index[1]
    # Project node features through each basis matrix first (basis trick):
    # xb[n, b, :] = x[n] @ basis[b]
    xb = jnp.einsum('nd,bdo->nbo', x, basis)  # [N, NB, DOUT]
    coeff = jnp.take(comp, edge_type, axis=0)  # [E, NB]
    # Per-edge message: msg_e = sum_b coeff[e, b] * xb[src_e, b, :]
    msg = jnp.zeros((E, DOUT), dtype=jnp.float32)
    for b in range(NB):
        msg = msg + coeff[:, b:b + 1] * jnp.take(xb[:, b, :], src, axis=0)
    # Normalization 1 / c_{i,r}: count of incoming edges per (dst, relation)
    seg = dst * NR + edge_type
    cnt = jax.ops.segment_sum(jnp.ones((E,), jnp.float32), seg, num_segments=N * NR)
    norm = 1.0 / jnp.maximum(jnp.take(cnt, seg), 1.0)
    msg = msg * norm[:, None]
    # Scatter-add messages to destination nodes
    agg = jax.ops.segment_sum(msg, dst, num_segments=N)  # [N, DOUT]
    # Self-loop term (self_loop=True); activation=None, normalize=False, dropout=0
    out = agg + x @ w_self
    return out

if __name__ == "__main__":
    import jax
    _d = setup_inputs()
    print(jax.jit(kernel)(*tuple(_d.values())))

</pallas_src>

<mosaic_0001>
#map = affine_map<(d0, d1) -> (0, 0)>
#map1 = affine_map<(d0, d1) -> (0)>
module attributes {stable_mosaic.version = 14 : i64} {
  func.func @agg(%arg0: i32, %arg1: i32, %arg2: memref<10000x64xf32, #tpu.memory_space<hbm>>, %arg3: memref<10000x64xf32, #tpu.memory_space<hbm>>, %arg4: memref<320000xi32, #tpu.memory_space<hbm>>, %arg5: memref<320000xi32, #tpu.memory_space<hbm>>, %arg6: memref<320000xi32, #tpu.memory_space<hbm>>, %arg7: memref<160000x64xf32, #tpu.memory_space<hbm>>, %arg8: memref<160000x64xf32, #tpu.memory_space<hbm>>, %arg9: memref<160000x16xf32, #tpu.memory_space<hbm>>, %arg10: memref<20000xi32, #tpu.memory_space<vmem>>, %arg11: memref<20160xi32, #tpu.memory_space<vmem>>, %arg12: memref<128xi32, #tpu.memory_space<vmem>>, %arg13: memref<128xi32, #tpu.memory_space<vmem>>, %arg14: memref<128x64xf32, #tpu.memory_space<vmem>>, %arg15: memref<32x64xf32, #tpu.memory_space<vmem>>, %arg16: memref<64x16xf32, #tpu.memory_space<vmem>>, %arg17: memref<128x16xf32, #tpu.memory_space<vmem>>, %arg18: memref<10000x64xf32, #tpu.memory_space<vmem_shared>>, %arg19: memref<6528x64xf32, #tpu.memory_space<vmem_shared>>, %arg20: memref<6528x16xf32, #tpu.memory_space<vmem_shared>>, %arg21: memref<!tpu.dma_semaphore, #tpu.memory_space<semaphore_mem>>) attributes {dimension_semantics = [#tpu.dimension_semantics<core_parallel>, #tpu.dimension_semantics<subcore_parallel>], iteration_bounds = array<i64: 2, 16>, scalar_prefetch = 0 : i64, scratch_operands = 12 : i64, tpu.core_type = #tpu.core_type<sc_vector_subcore>, window_params = [{transform_indices = #map}, {transform_indices = #map}, {transform_indices = #map1}, {transform_indices = #map1}, {transform_indices = #map1}, {transform_indices = #map}, {transform_indices = #map}, {transform_indices = #map}]} {
    %mul3A = arith.constant 20000 : i32
    %mul3A_0 = arith.muli %arg1, %mul3A : i32
    %broadcast_in_dim3A = arith.constant 0.000000e+00 : f32
    %broadcast_in_dim3A_1 = vector.broadcast %broadcast_in_dim3A : f32 to vector<16xf32>
    %broadcast_in_dim3A_2 = arith.constant 1.000000e+00 : f32
    %broadcast_in_dim3A_3 = vector.broadcast %broadcast_in_dim3A_2 : f32 to vector<16xf32>
    %scan3A = arith.constant 0 : i32
    %scan3A_4 = arith.constant 0 : i32
    %scan3A_5 = arith.constant 32 : i32
    %scan3A_6 = arith.addi %scan3A_4, %scan3A_5 : i32
    %scan3A_7 = arith.constant 1 : i32
    %scan3A_8 = scf.for %scan3A_52 = %scan3A_4 to %scan3A_6 step %scan3A_7 iter_args(%scan3A_53 = %scan3A) -> (i32)  : i32 {
      %swap3A = arith.index_cast %scan3A_52 : i32 to index
      %swap3A_54 = arith.constant 0 : index
      %swap3A_55 = tpu.vector_load %arg15[%swap3A, %swap3A_54] {strides = array<i32>} : memref<32x64xf32, #tpu.memory_space<vmem>>, vector<16xf32>,
      tpu.vector_store %arg15[%swap3A, %swap3A_54], %broadcast_in_dim3A_1 {strides = array<i32>} : memref<32x64xf32, #tpu.memory_space<vmem>>, vector<16xf32>,
      %swap3A_56 = arith.index_cast %scan3A_52 : i32 to index
      %swap3A_57 = arith.constant 16 : index
      %swap3A_58 = tpu.vector_load %arg15[%swap3A_56, %swap3A_57] {strides = array<i32>} : memref<32x64xf32, #tpu.memory_space<vmem>>, vector<16xf32>,
      tpu.vector_store %arg15[%swap3A_56, %swap3A_57], %broadcast_in_dim3A_1 {strides = array<i32>} : memref<32x64xf32, #tpu.memory_space<vmem>>, vector<16xf32>,
      %swap3A_59 = arith.index_cast %scan3A_52 : i32 to index
      %swap3A_60 = arith.constant 32 : index
      %swap3A_61 = tpu.vector_load %arg15[%swap3A_59, %swap3A_60] {strides = array<i32>} : memref<32x64xf32, #tpu.memory_space<vmem>>, vector<16xf32>,
      tpu.vector_store %arg15[%swap3A_59, %swap3A_60], %broadcast_in_dim3A_1 {strides = array<i32>} : memref<32x64xf32, #tpu.memory_space<vmem>>, vector<16xf32>,
      %swap3A_62 = arith.index_cast %scan3A_52 : i32 to index
      %swap3A_63 = arith.constant 48 : index
      %swap3A_64 = tpu.vector_load %arg15[%swap3A_62, %swap3A_63] {strides = array<i32>} : memref<32x64xf32, #tpu.memory_space<vmem>>, vector<16xf32>,
      tpu.vector_store %arg15[%swap3A_62, %swap3A_63], %broadcast_in_dim3A_1 {strides = array<i32>} : memref<32x64xf32, #tpu.memory_space<vmem>>, vector<16xf32>,
      %scan3A_65 = arith.constant 0 : i32
      scf.yield %scan3A_65 : i32
    }
    %scan3A_9 = arith.constant 32 : i32
    %scan3A_10 = arith.constant 0 : i32
    %scan3A_11 = arith.constant 0 : i32
    %scan3A_12 = arith.constant 64 : i32
    %scan3A_13 = arith.addi %scan3A_11, %scan3A_12 : i32
    %scan3A_14 = arith.constant 1 : i32
    %scan3A_15 = scf.for %scan3A_52 = %scan3A_11 to %scan3A_13 step %scan3A_14 iter_args(%scan3A_53 = %scan3A_10) -> (i32)  : i32 {
      %swap3A = arith.index_cast %scan3A_52 : i32 to index
      %swap3A_54 = arith.constant 0 : index
      %swap3A_55 = tpu.vector_load %arg16[%swap3A, %swap3A_54] {strides = array<i32>} : memref<64x16xf32, #tpu.memory_space<vmem>>, vector<16xf32>,
      tpu.vector_store %arg16[%swap3A, %swap3A_54], %broadcast_in_dim3A_1 {strides = array<i32>} : memref<64x16xf32, #tpu.memory_space<vmem>>, vector<16xf32>,
      %scan3A_56 = arith.constant 0 : i32
      scf.yield %scan3A_56 : i32
    }
    %scan3A_16 = arith.constant 64 : i32
    %scan3A_17 = arith.constant 0 : i32
    %scan3A_18 = arith.constant 0 : i32
    %scan3A_19 = arith.constant 128 : i32
    %scan3A_20 = arith.addi %scan3A_18, %scan3A_19 : i32
    %scan3A_21 = arith.constant 1 : i32
    %scan3A_22 = scf.for %scan3A_52 = %scan3A_18 to %scan3A_20 step %scan3A_21 iter_args(%scan3A_53 = %scan3A_17) -> (i32)  : i32 {
      %swap3A = arith.index_cast %scan3A_52 : i32 to index
      %swap3A_54 = arith.constant 0 : index
      %swap3A_55 = tpu.vector_load %arg17[%swap3A, %swap3A_54] {strides = array<i32>} : memref<128x16xf32, #tpu.memory_space<vmem>>, vector<16xf32>,
      tpu.vector_store %arg17[%swap3A, %swap3A_54], %broadcast_in_dim3A_3 {strides = array<i32>} : memref<128x16xf32, #tpu.memory_space<vmem>>, vector<16xf32>,
      %scan3A_56 = arith.constant 0 : i32
      scf.yield %scan3A_56 : i32
    }
    %scan3A_23 = arith.constant 128 : i32
    %eq3A = arith.constant 0 : i32
    %eq3A_24 = arith.cmpi eq, %arg0, %eq3A : i32
    %convert_element_type3A = arith.extui %eq3A_24 : i1 to i32
    %cond3A = arith.constant 0 : i32
    %cond3A_25 = arith.cmpi ne, %convert_element_type3A, %cond3A : i32
    scf.if %cond3A_25 {
      %mul3A_52 = arith.constant 625 : i32
      %mul3A_53 = arith.muli %arg1, %mul3A_52 : i32
      %mul3A_54 = arith.constant 625 : i32
      %mul3A_55 = arith.muli %arg1, %mul3A_54 : i32
      "tpu.region"() ({
        %run_scoped3A = tpu.sem_alloc : memref<!tpu.dma_semaphore, #tpu.memory_space<semaphore_mem>>
        %dma_start3A = arith.constant 0 : i32
        %dma_start3A_56 = tpu.memref_slice %arg18[%mul3A_55, %dma_start3A] : memref<10000x64xf32, #tpu.memory_space<vmem_shared>> -> memref<625x64xf32, #tpu.memory_space<vmem_shared>>
        %dma_start3A_57 = arith.constant 0 : i32
        %dma_start3A_58 = tpu.memref_slice %arg2[%mul3A_53, %dma_start3A_57] : memref<10000x64xf32, #tpu.memory_space<hbm>> -> memref<625x64xf32, #tpu.memory_space<hbm>>
        tpu.enqueue_dma source(%dma_start3A_58 : memref<625x64xf32, #tpu.memory_space<hbm>>) target(%dma_start3A_56 : memref<625x64xf32, #tpu.memory_space<vmem_shared>>) target_semaphore(%run_scoped3A : memref<!tpu.dma_semaphore, #tpu.memory_space<semaphore_mem>>)
        %dma_wait3A = arith.constant 0 : i32
        %dma_wait3A_59 = tpu.memref_slice %arg18[%mul3A_55, %dma_wait3A] : memref<10000x64xf32, #tpu.memory_space<vmem_shared>> -> memref<625x64xf32, #tpu.memory_space<vmem_shared>>
        %dma_wait3A_60 = arith.constant 0 : i32
        %dma_wait3A_61 = tpu.memref_slice %arg2[%mul3A_53, %dma_wait3A_60] : memref<10000x64xf32, #tpu.memory_space<hbm>> -> memref<625x64xf32, #tpu.memory_space<hbm>>
        tpu.wait_dma2 semaphore(%run_scoped3A : memref<!tpu.dma_semaphore, #tpu.memory_space<semaphore_mem>>) src(%dma_wait3A_61 : memref<625x64xf32, #tpu.memory_space<hbm>>) dst(%dma_wait3A_59 : memref<625x64xf32, #tpu.memory_space<vmem_shared>>)
        tpu.yield
      }) : () -> ()
    } else {
    }
    %eq3A_26 = arith.constant 1 : i32
    %eq3A_27 = arith.cmpi eq, %arg0, %eq3A_26 : i32
    %convert_element_type3A_28 = arith.extui %eq3A_27 : i1 to i32
    %cond3A_29 = arith.constant 0 : i32
    %cond3A_30 = arith.cmpi ne, %convert_element_type3A_28, %cond3A_29 : i32
    scf.if %cond3A_30 {
      %mul3A_52 = arith.constant 625 : i32
      %mul3A_53 = arith.muli %arg1, %mul3A_52 : i32
      %mul3A_54 = arith.constant 625 : i32
      %mul3A_55 = arith.muli %arg1, %mul3A_54 : i32
      "tpu.region"() ({
        %run_scoped3A = tpu.sem_alloc : memref<!tpu.dma_semaphore, #tpu.memory_space<semaphore_mem>>
        %dma_start3A = arith.constant 0 : i32
        %dma_start3A_56 = tpu.memref_slice %arg18[%mul3A_55, %dma_start3A] : memref<10000x64xf32, #tpu.memory_space<vmem_shared>> -> memref<625x64xf32, #tpu.memory_space<vmem_shared>>
        %dma_start3A_57 = arith.constant 0 : i32
        %dma_start3A_58 = tpu.memref_slice %arg3[%mul3A_53, %dma_start3A_57] : memref<10000x64xf32, #tpu.memory_space<hbm>> -> memref<625x64xf32, #tpu.memory_space<hbm>>
        tpu.enqueue_dma source(%dma_start3A_58 : memref<625x64xf32, #tpu.memory_space<hbm>>) target(%dma_start3A_56 : memref<625x64xf32, #tpu.memory_space<vmem_shared>>) target_semaphore(%run_scoped3A : memref<!tpu.dma_semaphore, #tpu.memory_space<semaphore_mem>>)
        %dma_wait3A = arith.constant 0 : i32
        %dma_wait3A_59 = tpu.memref_slice %arg18[%mul3A_55, %dma_wait3A] : memref<10000x64xf32, #tpu.memory_space<vmem_shared>> -> memref<625x64xf32, #tpu.memory_space<vmem_shared>>
        %dma_wait3A_60 = arith.constant 0 : i32
        %dma_wait3A_61 = tpu.memref_slice %arg3[%mul3A_53, %dma_wait3A_60] : memref<10000x64xf32, #tpu.memory_space<hbm>> -> memref<625x64xf32, #tpu.memory_space<hbm>>
        tpu.wait_dma2 semaphore(%run_scoped3A : memref<!tpu.dma_semaphore, #tpu.memory_space<semaphore_mem>>) src(%dma_wait3A_61 : memref<625x64xf32, #tpu.memory_space<hbm>>) dst(%dma_wait3A_59 : memref<625x64xf32, #tpu.memory_space<vmem_shared>>)
        tpu.yield
      }) : () -> ()
    } else {
    }
    "tpu.region"() ({
      %run_scoped3A = tpu.sem_alloc : memref<!tpu.dma_semaphore, #tpu.memory_space<semaphore_mem>>
      %dma_start3A = tpu.memref_slice %arg5[%mul3A_0] : memref<320000xi32, #tpu.memory_space<hbm>> -> memref<20000xi32, #tpu.memory_space<hbm>>
      %dma_start3A_52 = tpu.memref_slice %arg5[%mul3A_0] : memref<320000xi32, #tpu.memory_space<hbm>> -> memref<20000xi32, #tpu.memory_space<hbm>>
      tpu.enqueue_dma source(%dma_start3A_52 : memref<20000xi32, #tpu.memory_space<hbm>>) target(%arg10 : memref<20000xi32, #tpu.memory_space<vmem>>) target_semaphore(%run_scoped3A : memref<!tpu.dma_semaphore, #tpu.memory_space<semaphore_mem>>)
      %dma_wait3A = tpu.memref_slice %arg5[%mul3A_0] : memref<320000xi32, #tpu.memory_space<hbm>> -> memref<20000xi32, #tpu.memory_space<hbm>>
      %dma_wait3A_53 = tpu.memref_slice %arg5[%mul3A_0] : memref<320000xi32, #tpu.memory_space<hbm>> -> memref<20000xi32, #tpu.memory_space<hbm>>
      tpu.wait_dma2 semaphore(%run_scoped3A : memref<!tpu.dma_semaphore, #tpu.memory_space<semaphore_mem>>) src(%dma_wait3A_53 : memref<20000xi32, #tpu.memory_space<hbm>>) dst(%arg10 : memref<20000xi32, #tpu.memory_space<vmem>>)
      tpu.yield
    }) : () -> ()
    "tpu.region"() ({
      %run_scoped3A = tpu.sem_alloc : memref<!tpu.dma_semaphore, #tpu.memory_space<semaphore_mem>>
      %dma_start3A = arith.constant 0 : i32
      %dma_start3A_52 = tpu.memref_slice %arg11[%dma_start3A] : memref<20160xi32, #tpu.memory_space<vmem>> -> memref<20000xi32, #tpu.memory_space<vmem>>
      %dma_start3A_53 = tpu.memref_slice %arg6[%mul3A_0] : memref<320000xi32, #tpu.memory_space<hbm>> -> memref<20000xi32, #tpu.memory_space<hbm>>
      %dma_start3A_54 = arith.constant 0 : i32
      %dma_start3A_55 = tpu.memref_slice %arg11[%dma_start3A_54] : memref<20160xi32, #tpu.memory_space<vmem>> -> memref<20000xi32, #tpu.memory_space<vmem>>
      %dma_start3A_56 = tpu.memref_slice %arg6[%mul3A_0] : memref<320000xi32, #tpu.memory_space<hbm>> -> memref<20000xi32, #tpu.memory_space<hbm>>
      tpu.enqueue_dma source(%dma_start3A_56 : memref<20000xi32, #tpu.memory_space<hbm>>) target(%dma_start3A_55 : memref<20000xi32, #tpu.memory_space<vmem>>) target_semaphore(%run_scoped3A : memref<!tpu.dma_semaphore, #tpu.memory_space<semaphore_mem>>)
      %dma_wait3A = arith.constant 0 : i32
      %dma_wait3A_57 = tpu.memref_slice %arg11[%dma_wait3A] : memref<20160xi32, #tpu.memory_space<vmem>> -> memref<20000xi32, #tpu.memory_space<vmem>>
      %dma_wait3A_58 = tpu.memref_slice %arg6[%mul3A_0] : memref<320000xi32, #tpu.memory_space<hbm>> -> memref<20000xi32, #tpu.memory_space<hbm>>
      %dma_wait3A_59 = arith.constant 0 : i32
      %dma_wait3A_60 = tpu.memref_slice %arg11[%dma_wait3A_59] : memref<20160xi32, #tpu.memory_space<vmem>> -> memref<20000xi32, #tpu.memory_space<vmem>>
      %dma_wait3A_61 = tpu.memref_slice %arg6[%mul3A_0] : memref<320000xi32, #tpu.memory_space<hbm>> -> memref<20000xi32, #tpu.memory_space<hbm>>
      tpu.wait_dma2 semaphore(%run_scoped3A : memref<!tpu.dma_semaphore, #tpu.memory_space<semaphore_mem>>) src(%dma_wait3A_61 : memref<20000xi32, #tpu.memory_space<hbm>>) dst(%dma_wait3A_60 : memref<20000xi32, #tpu.memory_space<vmem>>)
      tpu.yield
    }) : () -> ()
    %scan3A_31 = arith.constant 0 : i32
    %scan3A_32 = arith.constant 0 : i32
    %scan3A_33 = arith.constant 1250 : i32
    %scan3A_34 = arith.addi %scan3A_32, %scan3A_33 : i32
    %scan3A_35 = arith.constant 1 : i32
    %scan3A_36 = scf.for %scan3A_52 = %scan3A_32 to %scan3A_34 step %scan3A_35 iter_args(%scan3A_53 = %scan3A_31) -> (i32)  : i32 {
      %mul3A_54 = arith.constant 16 : i32
      %mul3A_55 = arith.muli %scan3A_52, %mul3A_54 : i32
      %get3A = arith.index_cast %mul3A_55 : i32 to index
      %get3A_56 = tpu.vector_load %arg10[%get3A] {strides = array<i32>} : memref<20000xi32, #tpu.memory_space<vmem>>, vector<16xi32>,
      %get3A_57 = arith.index_cast %mul3A_55 : i32 to index
      %get3A_58 = tpu.vector_load %arg11[%get3A_57] {strides = array<i32>} : memref<20160xi32, #tpu.memory_space<vmem>>, vector<16xi32>,
      %shift_left3A = arith.constant 14 : i32
      %shift_left3A_59 = vector.broadcast %shift_left3A : i32 to vector<16xi32>
      %shift_left3A_60 = arith.shli %get3A_58, %shift_left3A_59 : vector<16xi32>
      %or3A = arith.ori %get3A_56, %shift_left3A_60 : vector<16xi32>
      %swap3A = arith.index_cast %mul3A_55 : i32 to index
      %swap3A_61 = tpu.vector_load %arg10[%swap3A] {strides = array<i32>} : memref<20000xi32, #tpu.memory_space<vmem>>, vector<16xi32>,
      tpu.vector_store %arg10[%swap3A], %or3A {strides = array<i32>} : memref<20000xi32, #tpu.memory_space<vmem>>, vector<16xi32>,
      %scan3A_62 = arith.constant 0 : i32
      scf.yield %scan3A_62 : i32
    }
    %scan3A_37 = arith.constant 1250 : i32
    "tpu.region"() ({
      %run_scoped3A = tpu.sem_alloc : memref<!tpu.dma_semaphore, #tpu.memory_space<semaphore_mem>>
      %dma_start3A = arith.constant 0 : i32
      %dma_start3A_52 = tpu.memref_slice %arg11[%dma_start3A] : memref<20160xi32, #tpu.memory_space<vmem>> -> memref<20000xi32, #tpu.memory_space<vmem>>
      %dma_start3A_53 = tpu.memref_slice %arg4[%mul3A_0] : memref<320000xi32, #tpu.memory_space<hbm>> -> memref<20000xi32, #tpu.memory_space<hbm>>
      %dma_start3A_54 = arith.constant 0 : i32
      %dma_start3A_55 = tpu.memref_slice %arg11[%dma_start3A_54] : memref<20160xi32, #tpu.memory_space<vmem>> -> memref<20000xi32, #tpu.memory_space<vmem>>
      %dma_start3A_56 = tpu.memref_slice %arg4[%mul3A_0] : memref<320000xi32, #tpu.memory_space<hbm>> -> memref<20000xi32, #tpu.memory_space<hbm>>
      tpu.enqueue_dma source(%dma_start3A_56 : memref<20000xi32, #tpu.memory_space<hbm>>) target(%dma_start3A_55 : memref<20000xi32, #tpu.memory_space<vmem>>) target_semaphore(%run_scoped3A : memref<!tpu.dma_semaphore, #tpu.memory_space<semaphore_mem>>)
      %dma_wait3A = arith.constant 0 : i32
      %dma_wait3A_57 = tpu.memref_slice %arg11[%dma_wait3A] : memref<20160xi32, #tpu.memory_space<vmem>> -> memref<20000xi32, #tpu.memory_space<vmem>>
      %dma_wait3A_58 = tpu.memref_slice %arg4[%mul3A_0] : memref<320000xi32, #tpu.memory_space<hbm>> -> memref<20000xi32, #tpu.memory_space<hbm>>
      %dma_wait3A_59 = arith.constant 0 : i32
      %dma_wait3A_60 = tpu.memref_slice %arg11[%dma_wait3A_59] : memref<20160xi32, #tpu.memory_space<vmem>> -> memref<20000xi32, #tpu.memory_space<vmem>>
      %dma_wait3A_61 = tpu.memref_slice %arg4[%mul3A_0] : memref<320000xi32, #tpu.memory_space<hbm>> -> memref<20000xi32, #tpu.memory_space<hbm>>
      tpu.wait_dma2 semaphore(%run_scoped3A : memref<!tpu.dma_semaphore, #tpu.memory_space<semaphore_mem>>) src(%dma_wait3A_61 : memref<20000xi32, #tpu.memory_space<hbm>>) dst(%dma_wait3A_60 : memref<20000xi32, #tpu.memory_space<vmem>>)
      tpu.yield
    }) : () -> ()
    %scan3A_38 = arith.constant 0 : i32
    %scan3A_39 = arith.constant 0 : i32
    %scan3A_40 = arith.constant 1250 : i32
    %scan3A_41 = arith.addi %scan3A_39, %scan3A_40 : i32
    %scan3A_42 = arith.constant 1 : i32
    %scan3A_43 = scf.for %scan3A_52 = %scan3A_39 to %scan3A_41 step %scan3A_42 iter_args(%scan3A_53 = %scan3A_38) -> (i32)  : i32 {
      %mul3A_54 = arith.constant 16 : i32
      %mul3A_55 = arith.muli %scan3A_52, %mul3A_54 : i32
      %get3A = arith.index_cast %mul3A_55 : i32 to index
      %get3A_56 = tpu.vector_load %arg10[%get3A] {strides = array<i32>} : memref<20000xi32, #tpu.memory_space<vmem>>, vector<16xi32>,
      %get3A_57 = arith.index_cast %mul3A_55 : i32 to index
      %get3A_58 = tpu.vector_load %arg11[%get3A_57] {strides = array<i32>} : memref<20160xi32, #tpu.memory_space<vmem>>, vector<16xi32>,
      %shift_left3A = arith.constant 18 : i32
      %shift_left3A_59 = vector.broadcast %shift_left3A : i32 to vector<16xi32>
      %shift_left3A_60 = arith.shli %get3A_58, %shift_left3A_59 : vector<16xi32>
      %or3A = arith.ori %get3A_56, %shift_left3A_60 : vector<16xi32>
      %swap3A = arith.index_cast %mul3A_55 : i32 to index
      %swap3A_61 = tpu.vector_load %arg10[%swap3A] {strides = array<i32>} : memref<20000xi32, #tpu.memory_space<vmem>>, vector<16xi32>,
      tpu.vector_store %arg10[%swap3A], %or3A {strides = array<i32>} : memref<20000xi32, #tpu.memory_space<vmem>>, vector<16xi32>,
      %scan3A_62 = arith.constant 0 : i32
      scf.yield %scan3A_62 : i32
    }
    %scan3A_44 = arith.constant 1250 : i32
    %barrier3A = arith.constant 0 : index
    tpu.barrier barrier_id(%barrier3A)
    %scan3A_45 = arith.constant 0 : i32
    %scan3A_46 = arith.constant 0 : i32
    %scan3A_47 = arith.constant 25 : i32
    %scan3A_48 = arith.addi %scan3A_46, %scan3A_47 : i32
    %scan3A_49 = arith.constant 1 : i32
    %scan3A_50 = scf.for %scan3A_52 = %scan3A_46 to %scan3A_48 step %scan3A_49 iter_args(%scan3A_53 = %scan3A_45) -> (i32)  : i32 {
      %mul3A_54 = arith.constant 400 : i32
      %mul3A_55 = arith.muli %scan3A_52, %mul3A_54 : i32
      %jit3A = arith.constant 2 : i32
      %eq3A_56 = arith.constant 0 : i32
      %eq3A_57 = arith.cmpi eq, %jit3A, %eq3A_56 : i32
      %jit3A_58 = arith.constant 1 : i32
      %select_n3A = arith.select %eq3A_57, %jit3A_58, %jit3A : i32
      %rem3A = arith.remsi %scan3A_52, %select_n3A : i32
      %ne3A = arith.constant 0 : i32
      %ne3A_59 = arith.cmpi ne, %rem3A, %ne3A : i32
      %lt3A = arith.constant 0 : i32
      %lt3A_60 = arith.cmpi slt, %rem3A, %lt3A : i32
      %lt3A_61 = arith.constant 0 : i32
      %lt3A_62 = arith.cmpi slt, %select_n3A, %lt3A_61 : i32
      %ne3A_63 = arith.xori %lt3A_60, %lt3A_62 : i1
      %and3A = arith.andi %ne3A_63, %ne3A_59 : i1
      %add3A = arith.addi %rem3A, %select_n3A : i32
      %select_n3A_64 = arith.select %and3A, %add3A, %rem3A : i32
      %eq3A_65 = arith.cmpi eq, %select_n3A_64, %arg0 : i32
      %mul3A_66 = arith.constant 408 : i32
      %mul3A_67 = arith.muli %arg1, %mul3A_66 : i32
      %add3A_68 = arith.constant 0 : i32
      %add3A_69 = arith.addi %mul3A_67, %add3A_68 : i32
      "tpu.region"() ({
        %run_scoped3A = tpu.sem_alloc : memref<!tpu.dma_semaphore, #tpu.memory_space<semaphore_mem>>
        %dma_start3A = arith.constant 0 : i32
        %dma_start3A_196 = tpu.memref_slice %arg19[%add3A_69, %dma_start3A] : memref<6528x64xf32, #tpu.memory_space<vmem_shared>> -> memref<32x64xf32, #tpu.memory_space<vmem_shared>>
        %dma_start3A_197 = arith.constant 0 : i32
        %dma_start3A_198 = tpu.memref_slice %arg19[%add3A_69, %dma_start3A_197] : memref<6528x64xf32, #tpu.memory_space<vmem_shared>> -> memref<32x64xf32, #tpu.memory_space<vmem_shared>>
        tpu.enqueue_dma source(%arg15 : memref<32x64xf32, #tpu.memory_space<vmem>>) target(%dma_start3A_198 : memref<32x64xf32, #tpu.memory_space<vmem_shared>>) target_semaphore(%run_scoped3A : memref<!tpu.dma_semaphore, #tpu.memory_space<semaphore_mem>>)
        %dma_wait3A = arith.constant 0 : i32
        %dma_wait3A_199 = tpu.memref_slice %arg19[%add3A_69, %dma_wait3A] : memref<6528x64xf32, #tpu.memory_space<vmem_shared>> -> memref<32x64xf32, #tpu.memory_space<vmem_shared>>
        %dma_wait3A_200 = arith.constant 0 : i32
        %dma_wait3A_201 = tpu.memref_slice %arg19[%add3A_69, %dma_wait3A_200] : memref<6528x64xf32, #tpu.memory_space<vmem_shared>> -> memref<32x64xf32, #tpu.memory_space<vmem_shared>>
        tpu.wait_dma2 semaphore(%run_scoped3A : memref<!tpu.dma_semaphore, #tpu.memory_space<semaphore_mem>>) src(%arg15 : memref<32x64xf32, #tpu.memory_space<vmem>>) dst(%dma_wait3A_201 : memref<32x64xf32, #tpu.memory_space<vmem_shared>>)
        tpu.yield
      }) : () -> ()
      %add3A_70 = arith.constant 32 : i32
      %add3A_71 = arith.addi %mul3A_67, %add3A_70 : i32
      "tpu.region"() ({
        %run_scoped3A = tpu.sem_alloc : memref<!tpu.dma_semaphore, #tpu.memory_space<semaphore_mem>>
        %dma_start3A = arith.constant 0 : i32
        %dma_start3A_196 = tpu.memref_slice %arg19[%add3A_71, %dma_start3A] : memref<6528x64xf32, #tpu.memory_space<vmem_shared>> -> memref<32x64xf32, #tpu.memory_space<vmem_shared>>
        %dma_start3A_197 = arith.constant 0 : i32
        %dma_start3A_198 = tpu.memref_slice %arg19[%add3A_71, %dma_start3A_197] : memref<6528x64xf32, #tpu.memory_space<vmem_shared>> -> memref<32x64xf32, #tpu.memory_space<vmem_shared>>
        tpu.enqueue_dma source(%arg15 : memref<32x64xf32, #tpu.memory_space<vmem>>) target(%dma_start3A_198 : memref<32x64xf32, #tpu.memory_space<vmem_shared>>) target_semaphore(%run_scoped3A : memref<!tpu.dma_semaphore, #tpu.memory_space<semaphore_mem>>)
        %dma_wait3A = arith.constant 0 : i32
        %dma_wait3A_199 = tpu.memref_slice %arg19[%add3A_71, %dma_wait3A] : memref<6528x64xf32, #tpu.memory_space<vmem_shared>> -> memref<32x64xf32, #tpu.memory_space<vmem_shared>>
        %dma_wait3A_200 = arith.constant 0 : i32
        %dma_wait3A_201 = tpu.memref_slice %arg19[%add3A_71, %dma_wait3A_200] : memref<6528x64xf32, #tpu.memory_space<vmem_shared>> -> memref<32x64xf32, #tpu.memory_space<vmem_shared>>
        tpu.wait_dma2 semaphore(%run_scoped3A : memref<!tpu.dma_semaphore, #tpu.memory_space<semaphore_mem>>) src(%arg15 : memref<32x64xf32, #tpu.memory_space<vmem>>) dst(%dma_wait3A_201 : memref<32x64xf32, #tpu.memory_space<vmem_shared>>)
        tpu.yield
      }) : () -> ()
      %add3A_72 = arith.constant 64 : i32
      %add3A_73 = arith.addi %mul3A_67, %add3A_72 : i32
      "tpu.region"() ({
        %run_scoped3A = tpu.sem_alloc : memref<!tpu.dma_semaphore, #tpu.memory_space<semaphore_mem>>
        %dma_start3A = arith.constant 0 : i32
        %dma_start3A_196 = tpu.memref_slice %arg19[%add3A_73, %dma_start3A] : memref<6528x64xf32, #tpu.memory_space<vmem_shared>> -> memref<32x64xf32, #tpu.memory_space<vmem_shared>>
        %dma_start3A_197 = arith.constant 0 : i32
        %dma_start3A_198 = tpu.memref_slice %arg19[%add3A_73, %dma_start3A_197] : memref<6528x64xf32, #tpu.memory_space<vmem_shared>> -> memref<32x64xf32, #tpu.memory_space<vmem_shared>>
        tpu.enqueue_dma source(%arg15 : memref<32x64xf32, #tpu.memory_space<vmem>>) target(%dma_start3A_198 : memref<32x64xf32, #tpu.memory_space<vmem_shared>>) target_semaphore(%run_scoped3A : memref<!tpu.dma_semaphore, #tpu.memory_space<semaphore_mem>>)
        %dma_wait3A = arith.constant 0 : i32
        %dma_wait3A_199 = tpu.memref_slice %arg19[%add3A_73, %dma_wait3A] : memref<6528x64xf32, #tpu.memory_space<vmem_shared>> -> memref<32x64xf32, #tpu.memory_space<vmem_shared>>
        %dma_wait3A_200 = arith.constant 0 : i32
        %dma_wait3A_201 = tpu.memref_slice %arg19[%add3A_73, %dma_wait3A_200] : memref<6528x64xf32, #tpu.memory_space<vmem_shared>> -> memref<32x64xf32, #tpu.memory_space<vmem_shared>>
        tpu.wait_dma2 semaphore(%run_scoped3A : memref<!tpu.dma_semaphore, #tpu.memory_space<semaphore_mem>>) src(%arg15 : memref<32x64xf32, #tpu.memory_space<vmem>>) dst(%dma_wait3A_201 : memref<32x64xf32, #tpu.memory_space<vmem_shared>>)
        tpu.yield
      }) : () -> ()
      %add3A_74 = arith.constant 96 : i32
      %add3A_75 = arith.addi %mul3A_67, %add3A_74 : i32
      "tpu.region"() ({
        %run_scoped3A = tpu.sem_alloc : memref<!tpu.dma_semaphore, #tpu.memory_space<semaphore_mem>>
        %dma_start3A = arith.constant 0 : i32
        %dma_start3A_196 = tpu.memref_slice %arg19[%add3A_75, %dma_start3A] : memref<6528x64xf32, #tpu.memory_space<vmem_shared>> -> memref<32x64xf32, #tpu.memory_space<vmem_shared>>
        %dma_start3A_197 = arith.constant 0 : i32
        %dma_start3A_198 = tpu.memref_slice %arg19[%add3A_75, %dma_start3A_197] : memref<6528x64xf32, #tpu.memory_space<vmem_shared>> -> memref<32x64xf32, #tpu.memory_space<vmem_shared>>
        tpu.enqueue_dma source(%arg15 : memref<32x64xf32, #tpu.memory_space<vmem>>) target(%dma_start3A_198 : memref<32x64xf32, #tpu.memory_space<vmem_shared>>) target_semaphore(%run_scoped3A : memref<!tpu.dma_semaphore, #tpu.memory_space<semaphore_mem>>)
        %dma_wait3A = arith.constant 0 : i32
        %dma_wait3A_199 = tpu.memref_slice %arg19[%add3A_75, %dma_wait3A] : memref<6528x64xf32, #tpu.memory_space<vmem_shared>> -> memref<32x64xf32, #tpu.memory_space<vmem_shared>>
        %dma_wait3A_200 = arith.constant 0 : i32
        %dma_wait3A_201 = tpu.memref_slice %arg19[%add3A_75, %dma_wait3A_200] : memref<6528x64xf32, #tpu.memory_space<vmem_shared>> -> memref<32x64xf32, #tpu.memory_space<vmem_shared>>
        tpu.wait_dma2 semaphore(%run_scoped3A : memref<!tpu.dma_semaphore, #tpu.memory_space<semaphore_mem>>) src(%arg15 : memref<32x64xf32, #tpu.memory_space<vmem>>) dst(%dma_wait3A_201 : memref<32x64xf32, #tpu.memory_space<vmem_shared>>)
        tpu.yield
      }) : () -> ()
      %add3A_76 = arith.constant 128 : i32
      %add3A_77 = arith.addi %mul3A_67, %add3A_76 : i32
      "tpu.region"() ({
        %run_scoped3A = tpu.sem_alloc : memref<!tpu.dma_semaphore, #tpu.memory_space<semaphore_mem>>
        %dma_start3A = arith.constant 0 : i32
        %dma_start3A_196 = tpu.memref_slice %arg19[%add3A_77, %dma_start3A] : memref<6528x64xf32, #tpu.memory_space<vmem_shared>> -> memref<32x64xf32, #tpu.memory_space<vmem_shared>>
        %dma_start3A_197 = arith.constant 0 : i32
        %dma_start3A_198 = tpu.memref_slice %arg19[%add3A_77, %dma_start3A_197] : memref<6528x64xf32, #tpu.memory_space<vmem_shared>> -> memref<32x64xf32, #tpu.memory_space<vmem_shared>>
        tpu.enqueue_dma source(%arg15 : memref<32x64xf32, #tpu.memory_space<vmem>>) target(%dma_start3A_198 : memref<32x64xf32, #tpu.memory_space<vmem_shared>>) target_semaphore(%run_scoped3A : memref<!tpu.dma_semaphore, #tpu.memory_space<semaphore_mem>>)
        %dma_wait3A = arith.constant 0 : i32
        %dma_wait3A_199 = tpu.memref_slice %arg19[%add3A_77, %dma_wait3A] : memref<6528x64xf32, #tpu.memory_space<vmem_shared>> -> memref<32x64xf32, #tpu.memory_space<vmem_shared>>
        %dma_wait3A_200 = arith.constant 0 : i32
        %dma_wait3A_201 = tpu.memref_slice %arg19[%add3A_77, %dma_wait3A_200] : memref<6528x64xf32, #tpu.memory_space<vmem_shared>> -> memref<32x64xf32, #tpu.memory_space<vmem_shared>>
        tpu.wait_dma2 semaphore(%run_scoped3A : memref<!tpu.dma_semaphore, #tpu.memory_space<semaphore_mem>>) src(%arg15 : memref<32x64xf32, #tpu.memory_space<vmem>>) dst(%dma_wait3A_201 : memref<32x64xf32, #tpu.memory_space<vmem_shared>>)
        tpu.yield
      }) : () -> ()
      %add3A_78 = arith.constant 160 : i32
      %add3A_79 = arith.addi %mul3A_67, %add3A_78 : i32
      "tpu.region"() ({
        %run_scoped3A = tpu.sem_alloc : memref<!tpu.dma_semaphore, #tpu.memory_space<semaphore_mem>>
        %dma_start3A = arith.constant 0 : i32
        %dma_start3A_196 = tpu.memref_slice %arg19[%add3A_79, %dma_start3A] : memref<6528x64xf32, #tpu.memory_space<vmem_shared>> -> memref<32x64xf32, #tpu.memory_space<vmem_shared>>
        %dma_start3A_197 = arith.constant 0 : i32
        %dma_start3A_198 = tpu.memref_slice %arg19[%add3A_79, %dma_start3A_197] : memref<6528x64xf32, #tpu.memory_space<vmem_shared>> -> memref<32x64xf32, #tpu.memory_space<vmem_shared>>
        tpu.enqueue_dma source(%arg15 : memref<32x64xf32, #tpu.memory_space<vmem>>) target(%dma_start3A_198 : memref<32x64xf32, #tpu.memory_space<vmem_shared>>) target_semaphore(%run_scoped3A : memref<!tpu.dma_semaphore, #tpu.memory_space<semaphore_mem>>)
        %dma_wait3A = arith.constant 0 : i32
        %dma_wait3A_199 = tpu.memref_slice %arg19[%add3A_79, %dma_wait3A] : memref<6528x64xf32, #tpu.memory_space<vmem_shared>> -> memref<32x64xf32, #tpu.memory_space<vmem_shared>>
        %dma_wait3A_200 = arith.constant 0 : i32
        %dma_wait3A_201 = tpu.memref_slice %arg19[%add3A_79, %dma_wait3A_200] : memref<6528x64xf32, #tpu.memory_space<vmem_shared>> -> memref<32x64xf32, #tpu.memory_space<vmem_shared>>
        tpu.wait_dma2 semaphore(%run_scoped3A : memref<!tpu.dma_semaphore, #tpu.memory_space<semaphore_mem>>) src(%arg15 : memref<32x64xf32, #tpu.memory_space<vmem>>) dst(%dma_wait3A_201 : memref<32x64xf32, #tpu.memory_space<vmem_shared>>)
        tpu.yield
      }) : () -> ()
      %add3A_80 = arith.constant 192 : i32
      %add3A_81 = arith.addi %mul3A_67, %add3A_80 : i32
      "tpu.region"() ({
        %run_scoped3A = tpu.sem_alloc : memref<!tpu.dma_semaphore, #tpu.memory_space<semaphore_mem>>
        %dma_start3A = arith.constant 0 : i32
        %dma_start3A_196 = tpu.memref_slice %arg19[%add3A_81, %dma_start3A] : memref<6528x64xf32, #tpu.memory_space<vmem_shared>> -> memref<32x64xf32, #tpu.memory_space<vmem_shared>>
        %dma_start3A_197 = arith.constant 0 : i32
        %dma_start3A_198 = tpu.memref_slice %arg19[%add3A_81, %dma_start3A_197] : memref<6528x64xf32, #tpu.memory_space<vmem_shared>> -> memref<32x64xf32, #tpu.memory_space<vmem_shared>>
        tpu.enqueue_dma source(%arg15 : memref<32x64xf32, #tpu.memory_space<vmem>>) target(%dma_start3A_198 : memref<32x64xf32, #tpu.memory_space<vmem_shared>>) target_semaphore(%run_scoped3A : memref<!tpu.dma_semaphore, #tpu.memory_space<semaphore_mem>>)
        %dma_wait3A = arith.constant 0 : i32
        %dma_wait3A_199 = tpu.memref_slice %arg19[%add3A_81, %dma_wait3A] : memref<6528x64xf32, #tpu.memory_space<vmem_shared>> -> memref<32x64xf32, #tpu.memory_space<vmem_shared>>
        %dma_wait3A_200 = arith.constant 0 : i32
        %dma_wait3A_201 = tpu.memref_slice %arg19[%add3A_81, %dma_wait3A_200] : memref<6528x64xf32, #tpu.memory_space<vmem_shared>> -> memref<32x64xf32, #tpu.memory_space<vmem_shared>>
        tpu.wait_dma2 semaphore(%run_scoped3A : memref<!tpu.dma_semaphore, #tpu.memory_space<semaphore_mem>>) src(%arg15 : memref<32x64xf32, #tpu.memory_space<vmem>>) dst(%dma_wait3A_201 : memref<32x64xf32, #tpu.memory_space<vmem_shared>>)
        tpu.yield
      }) : () -> ()
      %add3A_82 = arith.constant 224 : i32
      %add3A_83 = arith.addi %mul3A_67, %add3A_82 : i32
      "tpu.region"() ({
        %run_scoped3A = tpu.sem_alloc : memref<!tpu.dma_semaphore, #tpu.memory_space<semaphore_mem>>
        %dma_start3A = arith.constant 0 : i32
        %dma_start3A_196 = tpu.memref_slice %arg19[%add3A_83, %dma_start3A] : memref<6528x64xf32, #tpu.memory_space<vmem_shared>> -> memref<32x64xf32, #tpu.memory_space<vmem_shared>>
        %dma_start3A_197 = arith.constant 0 : i32
        %dma_start3A_198 = tpu.memref_slice %arg19[%add3A_83, %dma_start3A_197] : memref<6528x64xf32, #tpu.memory_space<vmem_shared>> -> memref<32x64xf32, #tpu.memory_space<vmem_shared>>
        tpu.enqueue_dma source(%arg15 : memref<32x64xf32, #tpu.memory_space<vmem>>) target(%dma_start3A_198 : memref<32x64xf32, #tpu.memory_space<vmem_shared>>) target_semaphore(%run_scoped3A : memref<!tpu.dma_semaphore, #tpu.memory_space<semaphore_mem>>)
        %dma_wait3A = arith.constant 0 : i32
        %dma_wait3A_199 = tpu.memref_slice %arg19[%add3A_83, %dma_wait3A] : memref<6528x64xf32, #tpu.memory_space<vmem_shared>> -> memref<32x64xf32, #tpu.memory_space<vmem_shared>>
        %dma_wait3A_200 = arith.constant 0 : i32
        %dma_wait3A_201 = tpu.memref_slice %arg19[%add3A_83, %dma_wait3A_200] : memref<6528x64xf32, #tpu.memory_space<vmem_shared>> -> memref<32x64xf32, #tpu.memory_space<vmem_shared>>
        tpu.wait_dma2 semaphore(%run_scoped3A : memref<!tpu.dma_semaphore, #tpu.memory_space<semaphore_mem>>) src(%arg15 : memref<32x64xf32, #tpu.memory_space<vmem>>) dst(%dma_wait3A_201 : memref<32x64xf32, #tpu.memory_space<vmem_shared>>)
        tpu.yield
      }) : () -> ()
      %add3A_84 = arith.constant 256 : i32
      %add3A_85 = arith.addi %mul3A_67, %add3A_84 : i32
      "tpu.region"() ({
        %run_scoped3A = tpu.sem_alloc : memref<!tpu.dma_semaphore, #tpu.memory_space<semaphore_mem>>
        %dma_start3A = arith.constant 0 : i32
        %dma_start3A_196 = tpu.memref_slice %arg19[%add3A_85, %dma_start3A] : memref<6528x64xf32, #tpu.memory_space<vmem_shared>> -> memref<32x64xf32, #tpu.memory_space<vmem_shared>>
        %dma_start3A_197 = arith.constant 0 : i32
        %dma_start3A_198 = tpu.memref_slice %arg19[%add3A_85, %dma_start3A_197] : memref<6528x64xf32, #tpu.memory_space<vmem_shared>> -> memref<32x64xf32, #tpu.memory_space<vmem_shared>>
        tpu.enqueue_dma source(%arg15 : memref<32x64xf32, #tpu.memory_space<vmem>>) target(%dma_start3A_198 : memref<32x64xf32, #tpu.memory_space<vmem_shared>>) target_semaphore(%run_scoped3A : memref<!tpu.dma_semaphore, #tpu.memory_space<semaphore_mem>>)
        %dma_wait3A = arith.constant 0 : i32
        %dma_wait3A_199 = tpu.memref_slice %arg19[%add3A_85, %dma_wait3A] : memref<6528x64xf32, #tpu.memory_space<vmem_shared>> -> memref<32x64xf32, #tpu.memory_space<vmem_shared>>
        %dma_wait3A_200 = arith.constant 0 : i32
        %dma_wait3A_201 = tpu.memref_slice %arg19[%add3A_85, %dma_wait3A_200] : memref<6528x64xf32, #tpu.memory_space<vmem_shared>> -> memref<32x64xf32, #tpu.memory_space<vmem_shared>>
        tpu.wait_dma2 semaphore(%run_scoped3A : memref<!tpu.dma_semaphore, #tpu.memory_space<semaphore_mem>>) src(%arg15 : memref<32x64xf32, #tpu.memory_space<vmem>>) dst(%dma_wait3A_201 : memref<32x64xf32, #tpu.memory_space<vmem_shared>>)
        tpu.yield
      }) : () -> ()
      %add3A_86 = arith.constant 288 : i32
      %add3A_87 = arith.addi %mul3A_67, %add3A_86 : i32
      "tpu.region"() ({
        %run_scoped3A = tpu.sem_alloc : memref<!tpu.dma_semaphore, #tpu.memory_space<semaphore_mem>>
        %dma_start3A = arith.constant 0 : i32
        %dma_start3A_196 = tpu.memref_slice %arg19[%add3A_87, %dma_start3A] : memref<6528x64xf32, #tpu.memory_space<vmem_shared>> -> memref<32x64xf32, #tpu.memory_space<vmem_shared>>
        %dma_start3A_197 = arith.constant 0 : i32
        %dma_start3A_198 = tpu.memref_slice %arg19[%add3A_87, %dma_start3A_197] : memref<6528x64xf32, #tpu.memory_space<vmem_shared>> -> memref<32x64xf32, #tpu.memory_space<vmem_shared>>
        tpu.enqueue_dma source(%arg15 : memref<32x64xf32, #tpu.memory_space<vmem>>) target(%dma_start3A_198 : memref<32x64xf32, #tpu.memory_space<vmem_shared>>) target_semaphore(%run_scoped3A : memref<!tpu.dma_semaphore, #tpu.memory_space<semaphore_mem>>)
        %dma_wait3A = arith.constant 0 : i32
        %dma_wait3A_199 = tpu.memref_slice %arg19[%add3A_87, %dma_wait3A] : memref<6528x64xf32, #tpu.memory_space<vmem_shared>> -> memref<32x64xf32, #tpu.memory_space<vmem_shared>>
        %dma_wait3A_200 = arith.constant 0 : i32
        %dma_wait3A_201 = tpu.memref_slice %arg19[%add3A_87, %dma_wait3A_200] : memref<6528x64xf32, #tpu.memory_space<vmem_shared>> -> memref<32x64xf32, #tpu.memory_space<vmem_shared>>
        tpu.wait_dma2 semaphore(%run_scoped3A : memref<!tpu.dma_semaphore, #tpu.memory_space<semaphore_mem>>) src(%arg15 : memref<32x64xf32, #tpu.memory_space<vmem>>) dst(%dma_wait3A_201 : memref<32x64xf32, #tpu.memory_space<vmem_shared>>)
        tpu.yield
      }) : () -> ()
      %add3A_88 = arith.constant 320 : i32
      %add3A_89 = arith.addi %mul3A_67, %add3A_88 : i32
      "tpu.region"() ({
        %run_scoped3A = tpu.sem_alloc : memref<!tpu.dma_semaphore, #tpu.memory_space<semaphore_mem>>
        %dma_start3A = arith.constant 0 : i32
        %dma_start3A_196 = tpu.memref_slice %arg19[%add3A_89, %dma_start3A] : memref<6528x64xf32, #tpu.memory_space<vmem_shared>> -> memref<32x64xf32, #tpu.memory_space<vmem_shared>>
        %dma_start3A_197 = arith.constant 0 : i32
        %dma_start3A_198 = tpu.memref_slice %arg19[%add3A_89, %dma_start3A_197] : memref<6528x64xf32, #tpu.memory_space<vmem_shared>> -> memref<32x64xf32, #tpu.memory_space<vmem_shared>>
        tpu.enqueue_dma source(%arg15 : memref<32x64xf32, #tpu.memory_space<vmem>>) target(%dma_start3A_198 : memref<32x64xf32, #tpu.memory_space<vmem_shared>>) target_semaphore(%run_scoped3A : memref<!tpu.dma_semaphore, #tpu.memory_space<semaphore_mem>>)
        %dma_wait3A = arith.constant 0 : i32
        %dma_wait3A_199 = tpu.memref_slice %arg19[%add3A_89, %dma_wait3A] : memref<6528x64xf32, #tpu.memory_space<vmem_shared>> -> memref<32x64xf32, #tpu.memory_space<vmem_shared>>
        %dma_wait3A_200 = arith.constant 0 : i32
        %dma_wait3A_201 = tpu.memref_slice %arg19[%add3A_89, %dma_wait3A_200] : memref<6528x64xf32, #tpu.memory_space<vmem_shared>> -> memref<32x64xf32, #tpu.memory_space<vmem_shared>>
        tpu.wait_dma2 semaphore(%run_scoped3A : memref<!tpu.dma_semaphore, #tpu.memory_space<semaphore_mem>>) src(%arg15 : memref<32x64xf32, #tpu.memory_space<vmem>>) dst(%dma_wait3A_201 : memref<32x64xf32, #tpu.memory_space<vmem_shared>>)
        tpu.yield
      }) : () -> ()
      %add3A_90 = arith.constant 352 : i32
      %add3A_91 = arith.addi %mul3A_67, %add3A_90 : i32
      "tpu.region"() ({
        %run_scoped3A = tpu.sem_alloc : memref<!tpu.dma_semaphore, #tpu.memory_space<semaphore_mem>>
        %dma_start3A = arith.constant 0 : i32
        %dma_start3A_196 = tpu.memref_slice %arg19[%add3A_91, %dma_start3A] : memref<6528x64xf32, #tpu.memory_space<vmem_shared>> -> memref<32x64xf32, #tpu.memory_space<vmem_shared>>
        %dma_start3A_197 = arith.constant 0 : i32
        %dma_start3A_198 = tpu.memref_slice %arg19[%add3A_91, %dma_start3A_197] : memref<6528x64xf32, #tpu.memory_space<vmem_shared>> -> memref<32x64xf32, #tpu.memory_space<vmem_shared>>
        tpu.enqueue_dma source(%arg15 : memref<32x64xf32, #tpu.memory_space<vmem>>) target(%dma_start3A_198 : memref<32x64xf32, #tpu.memory_space<vmem_shared>>) target_semaphore(%run_scoped3A : memref<!tpu.dma_semaphore, #tpu.memory_space<semaphore_mem>>)
        %dma_wait3A = arith.constant 0 : i32
        %dma_wait3A_199 = tpu.memref_slice %arg19[%add3A_91, %dma_wait3A] : memref<6528x64xf32, #tpu.memory_space<vmem_shared>> -> memref<32x64xf32, #tpu.memory_space<vmem_shared>>
        %dma_wait3A_200 = arith.constant 0 : i32
        %dma_wait3A_201 = tpu.memref_slice %arg19[%add3A_91, %dma_wait3A_200] : memref<6528x64xf32, #tpu.memory_space<vmem_shared>> -> memref<32x64xf32, #tpu.memory_space<vmem_shared>>
        tpu.wait_dma2 semaphore(%run_scoped3A : memref<!tpu.dma_semaphore, #tpu.memory_space<semaphore_mem>>) src(%arg15 : memref<32x64xf32, #tpu.memory_space<vmem>>) dst(%dma_wait3A_201 : memref<32x64xf32, #tpu.memory_space<vmem_shared>>)
        tpu.yield
      }) : () -> ()
      %add3A_92 = arith.constant 384 : i32
      %add3A_93 = arith.addi %mul3A_67, %add3A_92 : i32
      "tpu.region"() ({
        %run_scoped3A = tpu.sem_alloc : memref<!tpu.dma_semaphore, #tpu.memory_space<semaphore_mem>>
        %dma_start3A = arith.constant 0 : i32
        %dma_start3A_196 = arith.constant 0 : i32
        %dma_start3A_197 = tpu.memref_slice %arg15[%dma_start3A, %dma_start3A_196] : memref<32x64xf32, #tpu.memory_space<vmem>> -> memref<24x64xf32, #tpu.memory_space<vmem>>
        %dma_start3A_198 = arith.constant 0 : i32
        %dma_start3A_199 = tpu.memref_slice %arg19[%add3A_93, %dma_start3A_198] : memref<6528x64xf32, #tpu.memory_space<vmem_shared>> -> memref<24x64xf32, #tpu.memory_space<vmem_shared>>
        %dma_start3A_200 = arith.constant 0 : i32
        %dma_start3A_201 = tpu.memref_slice %arg19[%add3A_93, %dma_start3A_200] : memref<6528x64xf32, #tpu.memory_space<vmem_shared>> -> memref<24x64xf32, #tpu.memory_space<vmem_shared>>
        %dma_start3A_202 = arith.constant 0 : i32
        %dma_start3A_203 = arith.constant 0 : i32
        %dma_start3A_204 = tpu.memref_slice %arg15[%dma_start3A_202, %dma_start3A_203] : memref<32x64xf32, #tpu.memory_space<vmem>> -> memref<24x64xf32, #tpu.memory_space<vmem>>
        tpu.enqueue_dma source(%dma_start3A_204 : memref<24x64xf32, #tpu.memory_space<vmem>>) target(%dma_start3A_201 : memref<24x64xf32, #tpu.memory_space<vmem_shared>>) target_semaphore(%run_scoped3A : memref<!tpu.dma_semaphore, #tpu.memory_space<semaphore_mem>>)
        %dma_wait3A = arith.constant 0 : i32
        %dma_wait3A_205 = arith.constant 0 : i32
        %dma_wait3A_206 = tpu.memref_slice %arg15[%dma_wait3A, %dma_wait3A_205] : memref<32x64xf32, #tpu.memory_space<vmem>> -> memref<24x64xf32, #tpu.memory_space<vmem>>
        %dma_wait3A_207 = arith.constant 0 : i32
        %dma_wait3A_208 = tpu.memref_slice %arg19[%add3A_93, %dma_wait3A_207] : memref<6528x64xf32, #tpu.memory_space<vmem_shared>> -> memref<24x64xf32, #tpu.memory_space<vmem_shared>>
        %dma_wait3A_209 = arith.constant 0 : i32
        %dma_wait3A_210 = tpu.memref_slice %arg19[%add3A_93, %dma_wait3A_209] : memref<6528x64xf32, #tpu.memory_space<vmem_shared>> -> memref<24x64xf32, #tpu.memory_space<vmem_shared>>
        %dma_wait3A_211 = arith.constant 0 : i32
        %dma_wait3A_212 = arith.constant 0 : i32
        %dma_wait3A_213 = tpu.memref_slice %arg15[%dma_wait3A_211, %dma_wait3A_212] : memref<32x64xf32, #tpu.memory_space<vmem>> -> memref<24x64xf32, #tpu.memory_space<vmem>>
        tpu.wait_dma2 semaphore(%run_scoped3A : memref<!tpu.dma_semaphore, #tpu.memory_space<semaphore_mem>>) src(%dma_wait3A_213 : memref<24x64xf32, #tpu.memory_space<vmem>>) dst(%dma_wait3A_210 : memref<24x64xf32, #tpu.memory_space<vmem_shared>>)
        tpu.yield
      }) : () -> ()
      %convert_element_type3A_94 = arith.extui %eq3A_65 : i1 to i32
      %cond3A_95 = arith.constant 0 : i32
      %cond3A_96 = arith.cmpi ne, %convert_element_type3A_94, %cond3A_95 : i32
      scf.if %cond3A_96 {
        %add3A_196 = arith.constant 0 : i32
        %add3A_197 = arith.addi %mul3A_67, %add3A_196 : i32
        "tpu.region"() ({
          %run_scoped3A = tpu.sem_alloc : memref<!tpu.dma_semaphore, #tpu.memory_space<semaphore_mem>>
          %dma_start3A = arith.constant 0 : i32
          %dma_start3A_210 = tpu.memref_slice %arg20[%add3A_197, %dma_start3A] : memref<6528x16xf32, #tpu.memory_space<vmem_shared>> -> memref<64x16xf32, #tpu.memory_space<vmem_shared>>
          %dma_start3A_211 = arith.constant 0 : i32
          %dma_start3A_212 = tpu.memref_slice %arg20[%add3A_197, %dma_start3A_211] : memref<6528x16xf32, #tpu.memory_space<vmem_shared>> -> memref<64x16xf32, #tpu.memory_space<vmem_shared>>
          tpu.enqueue_dma source(%arg16 : memref<64x16xf32, #tpu.memory_space<vmem>>) target(%dma_start3A_212 : memref<64x16xf32, #tpu.memory_space<vmem_shared>>) target_semaphore(%run_scoped3A : memref<!tpu.dma_semaphore, #tpu.memory_space<semaphore_mem>>)
          %dma_wait3A = arith.constant 0 : i32
          %dma_wait3A_213 = tpu.memref_slice %arg20[%add3A_197, %dma_wait3A] : memref<6528x16xf32, #tpu.memory_space<vmem_shared>> -> memref<64x16xf32, #tpu.memory_space<vmem_shared>>
          %dma_wait3A_214 = arith.constant 0 : i32
          %dma_wait3A_215 = tpu.memref_slice %arg20[%add3A_197, %dma_wait3A_214] : memref<6528x16xf32, #tpu.memory_space<vmem_shared>> -> memref<64x16xf32, #tpu.memory_space<vmem_shared>>
          tpu.wait_dma2 semaphore(%run_scoped3A : memref<!tpu.dma_semaphore, #tpu.memory_space<semaphore_mem>>) src(%arg16 : memref<64x16xf32, #tpu.memory_space<vmem>>) dst(%dma_wait3A_215 : memref<64x16xf32, #tpu.memory_space<vmem_shared>>)
          tpu.yield
        }) : () -> ()
        %add3A_198 = arith.constant 64 : i32
        %add3A_199 = arith.addi %mul3A_67, %add3A_198 : i32
        "tpu.region"() ({
          %run_scoped3A = tpu.sem_alloc : memref<!tpu.dma_semaphore, #tpu.memory_space<semaphore_mem>>
          %dma_start3A = arith.constant 0 : i32
          %dma_start3A_210 = tpu.memref_slice %arg20[%add3A_199, %dma_start3A] : memref<6528x16xf32, #tpu.memory_space<vmem_shared>> -> memref<64x16xf32, #tpu.memory_space<vmem_shared>>
          %dma_start3A_211 = arith.constant 0 : i32
          %dma_start3A_212 = tpu.memref_slice %arg20[%add3A_199, %dma_start3A_211] : memref<6528x16xf32, #tpu.memory_space<vmem_shared>> -> memref<64x16xf32, #tpu.memory_space<vmem_shared>>
          tpu.enqueue_dma source(%arg16 : memref<64x16xf32, #tpu.memory_space<vmem>>) target(%dma_start3A_212 : memref<64x16xf32, #tpu.memory_space<vmem_shared>>) target_semaphore(%run_scoped3A : memref<!tpu.dma_semaphore, #tpu.memory_space<semaphore_mem>>)
          %dma_wait3A = arith.constant 0 : i32
          %dma_wait3A_213 = tpu.memref_slice %arg20[%add3A_199, %dma_wait3A] : memref<6528x16xf32, #tpu.memory_space<vmem_shared>> -> memref<64x16xf32, #tpu.memory_space<vmem_shared>>
          %dma_wait3A_214 = arith.constant 0 : i32
          %dma_wait3A_215 = tpu.memref_slice %arg20[%add3A_199, %dma_wait3A_214] : memref<6528x16xf32, #tpu.memory_space<vmem_shared>> -> memref<64x16xf32, #tpu.memory_space<vmem_shared>>
          tpu.wait_dma2 semaphore(%run_scoped3A : memref<!tpu.dma_semaphore, #tpu.memory_space<semaphore_mem>>) src(%arg16 : memref<64x16xf32, #tpu.memory_space<vmem>>) dst(%dma_wait3A_215 : memref<64x16xf32, #tpu.memory_space<vmem_shared>>)
          tpu.yield
        }) : () -> ()
        %add3A_200 = arith.constant 128 : i32
        %add3A_201 = arith.addi %mul3A_67, %add3A_200 : i32
        "tpu.region"() ({
          %run_scoped3A = tpu.sem_alloc : memref<!tpu.dma_semaphore, #tpu.memory_space<semaphore_mem>>
          %dma_start3A = arith.constant 0 : i32
          %dma_start3A_210 = tpu.memref_slice %arg20[%add3A_201, %dma_start3A] : memref<6528x16xf32, #tpu.memory_space<vmem_shared>> -> memref<64x16xf32, #tpu.memory_space<vmem_shared>>
          %dma_start3A_211 = arith.constant 0 : i32
          %dma_start3A_212 = tpu.memref_slice %arg20[%add3A_201, %dma_start3A_211] : memref<6528x16xf32, #tpu.memory_space<vmem_shared>> -> memref<64x16xf32, #tpu.memory_space<vmem_shared>>
          tpu.enqueue_dma source(%arg16 : memref<64x16xf32, #tpu.memory_space<vmem>>) target(%dma_start3A_212 : memref<64x16xf32, #tpu.memory_space<vmem_shared>>) target_semaphore(%run_scoped3A : memref<!tpu.dma_semaphore, #tpu.memory_space<semaphore_mem>>)
          %dma_wait3A = arith.constant 0 : i32
          %dma_wait3A_213 = tpu.memref_slice %arg20[%add3A_201, %dma_wait3A] : memref<6528x16xf32, #tpu.memory_space<vmem_shared>> -> memref<64x16xf32, #tpu.memory_space<vmem_shared>>
          %dma_wait3A_214 = arith.constant 0 : i32
          %dma_wait3A_215 = tpu.memref_slice %arg20[%add3A_201, %dma_wait3A_214] : memref<6528x16xf32, #tpu.memory_space<vmem_shared>> -> memref<64x16xf32, #tpu.memory_space<vmem_shared>>
          tpu.wait_dma2 semaphore(%run_scoped3A : memref<!tpu.dma_semaphore, #tpu.memory_space<semaphore_mem>>) src(%arg16 : memref<64x16xf32, #tpu.memory_space<vmem>>) dst(%dma_wait3A_215 : memref<64x16xf32, #tpu.memory_space<vmem_shared>>)
          tpu.yield
        }) : () -> ()
        %add3A_202 = arith.constant 192 : i32
        %add3A_203 = arith.addi %mul3A_67, %add3A_202 : i32
        "tpu.region"() ({
          %run_scoped3A = tpu.sem_alloc : memref<!tpu.dma_semaphore, #tpu.memory_space<semaphore_mem>>
          %dma_start3A = arith.constant 0 : i32
          %dma_start3A_210 = tpu.memref_slice %arg20[%add3A_203, %dma_start3A] : memref<6528x16xf32, #tpu.memory_space<vmem_shared>> -> memref<64x16xf32, #tpu.memory_space<vmem_shared>>
          %dma_start3A_211 = arith.constant 0 : i32
          %dma_start3A_212 = tpu.memref_slice %arg20[%add3A_203, %dma_start3A_211] : memref<6528x16xf32, #tpu.memory_space<vmem_shared>> -> memref<64x16xf32, #tpu.memory_space<vmem_shared>>
          tpu.enqueue_dma source(%arg16 : memref<64x16xf32, #tpu.memory_space<vmem>>) target(%dma_start3A_212 : memref<64x16xf32, #tpu.memory_space<vmem_shared>>) target_semaphore(%run_scoped3A : memref<!tpu.dma_semaphore, #tpu.memory_space<semaphore_mem>>)
          %dma_wait3A = arith.constant 0 : i32
          %dma_wait3A_213 = tpu.memref_slice %arg20[%add3A_203, %dma_wait3A] : memref<6528x16xf32, #tpu.memory_space<vmem_shared>> -> memref<64x16xf32, #tpu.memory_space<vmem_shared>>
          %dma_wait3A_214 = arith.constant 0 : i32
          %dma_wait3A_215 = tpu.memref_slice %arg20[%add3A_203, %dma_wait3A_214] : memref<6528x16xf32, #tpu.memory_space<vmem_shared>> -> memref<64x16xf32, #tpu.memory_space<vmem_shared>>
          tpu.wait_dma2 semaphore(%run_scoped3A : memref<!tpu.dma_semaphore, #tpu.memory_space<semaphore_mem>>) src(%arg16 : memref<64x16xf32, #tpu.memory_space<vmem>>) dst(%dma_wait3A_215 : memref<64x16xf32, #tpu.memory_space<vmem_shared>>)
          tpu.yield
        }) : () -> ()
        %add3A_204 = arith.constant 256 : i32
        %add3A_205 = arith.addi %mul3A_67, %add3A_204 : i32
        "tpu.region"() ({
          %run_scoped3A = tpu.sem_alloc : memref<!tpu.dma_semaphore, #tpu.memory_space<semaphore_mem>>
          %dma_start3A = arith.constant 0 : i32
          %dma_start3A_210 = tpu.memref_slice %arg20[%add3A_205, %dma_start3A] : memref<6528x16xf32, #tpu.memory_space<vmem_shared>> -> memref<64x16xf32, #tpu.memory_space<vmem_shared>>
          %dma_start3A_211 = arith.constant 0 : i32
          %dma_start3A_212 = tpu.memref_slice %arg20[%add3A_205, %dma_start3A_211] : memref<6528x16xf32, #tpu.memory_space<vmem_shared>> -> memref<64x16xf32, #tpu.memory_space<vmem_shared>>
          tpu.enqueue_dma source(%arg16 : memref<64x16xf32, #tpu.memory_space<vmem>>) target(%dma_start3A_212 : memref<64x16xf32, #tpu.memory_space<vmem_shared>>) target_semaphore(%run_scoped3A : memref<!tpu.dma_semaphore, #tpu.memory_space<semaphore_mem>>)
          %dma_wait3A = arith.constant 0 : i32
          %dma_wait3A_213 = tpu.memref_slice %arg20[%add3A_205, %dma_wait3A] : memref<6528x16xf32, #tpu.memory_space<vmem_shared>> -> memref<64x16xf32, #tpu.memory_space<vmem_shared>>
          %dma_wait3A_214 = arith.constant 0 : i32
          %dma_wait3A_215 = tpu.memref_slice %arg20[%add3A_205, %dma_wait3A_214] : memref<6528x16xf32, #tpu.memory_space<vmem_shared>> -> memref<64x16xf32, #tpu.memory_space<vmem_shared>>
          tpu.wait_dma2 semaphore(%run_scoped3A : memref<!tpu.dma_semaphore, #tpu.memory_space<semaphore_mem>>) src(%arg16 : memref<64x16xf32, #tpu.memory_space<vmem>>) dst(%dma_wait3A_215 : memref<64x16xf32, #tpu.memory_space<vmem_shared>>)
          tpu.yield
        }) : () -> ()
        %add3A_206 = arith.constant 320 : i32
        %add3A_207 = arith.addi %mul3A_67, %add3A_206 : i32
        "tpu.region"() ({
          %run_scoped3A = tpu.sem_alloc : memref<!tpu.dma_semaphore, #tpu.memory_space<semaphore_mem>>
          %dma_start3A = arith.constant 0 : i32
          %dma_start3A_210 = tpu.memref_slice %arg20[%add3A_207, %dma_start3A] : memref<6528x16xf32, #tpu.memory_space<vmem_shared>> -> memref<64x16xf32, #tpu.memory_space<vmem_shared>>
          %dma_start3A_211 = arith.constant 0 : i32
          %dma_start3A_212 = tpu.memref_slice %arg20[%add3A_207, %dma_start3A_211] : memref<6528x16xf32, #tpu.memory_space<vmem_shared>> -> memref<64x16xf32, #tpu.memory_space<vmem_shared>>
          tpu.enqueue_dma source(%arg16 : memref<64x16xf32, #tpu.memory_space<vmem>>) target(%dma_start3A_212 : memref<64x16xf32, #tpu.memory_space<vmem_shared>>) target_semaphore(%run_scoped3A : memref<!tpu.dma_semaphore, #tpu.memory_space<semaphore_mem>>)
          %dma_wait3A = arith.constant 0 : i32
          %dma_wait3A_213 = tpu.memref_slice %arg20[%add3A_207, %dma_wait3A] : memref<6528x16xf32, #tpu.memory_space<vmem_shared>> -> memref<64x16xf32, #tpu.memory_space<vmem_shared>>
          %dma_wait3A_214 = arith.constant 0 : i32
          %dma_wait3A_215 = tpu.memref_slice %arg20[%add3A_207, %dma_wait3A_214] : memref<6528x16xf32, #tpu.memory_space<vmem_shared>> -> memref<64x16xf32, #tpu.memory_space<vmem_shared>>
          tpu.wait_dma2 semaphore(%run_scoped3A : memref<!tpu.dma_semaphore, #tpu.memory_space<semaphore_mem>>) src(%arg16 : memref<64x16xf32, #tpu.memory_space<vmem>>) dst(%dma_wait3A_215 : memref<64x16xf32, #tpu.memory_space<vmem_shared>>)
          tpu.yield
        }) : () -> ()
        %add3A_208 = arith.constant 384 : i32
        %add3A_209 = arith.addi %mul3A_67, %add3A_208 : i32
        "tpu.region"() ({
          %run_scoped3A = tpu.sem_alloc : memref<!tpu.dma_semaphore, #tpu.memory_space<semaphore_mem>>
          %dma_start3A = arith.constant 0 : i32
          %dma_start3A_210 = arith.constant 0 : i32
          %dma_start3A_211 = tpu.memref_slice %arg16[%dma_start3A, %dma_start3A_210] : memref<64x16xf32, #tpu.memory_space<vmem>> -> memref<24x16xf32, #tpu.memory_space<vmem>>
          %dma_start3A_212 = arith.constant 0 : i32
          %dma_start3A_213 = tpu.memref_slice %arg20[%add3A_209, %dma_start3A_212] : memref<6528x16xf32, #tpu.memory_space<vmem_shared>> -> memref<24x16xf32, #tpu.memory_space<vmem_shared>>
          %dma_start3A_214 = arith.constant 0 : i32
          %dma_start3A_215 = tpu.memref_slice %arg20[%add3A_209, %dma_start3A_214] : memref<6528x16xf32, #tpu.memory_space<vmem_shared>> -> memref<24x16xf32, #tpu.memory_space<vmem_shared>>
          %dma_start3A_216 = arith.constant 0 : i32
          %dma_start3A_217 = arith.constant 0 : i32
          %dma_start3A_218 = tpu.memref_slice %arg16[%dma_start3A_216, %dma_start3A_217] : memref<64x16xf32, #tpu.memory_space<vmem>> -> memref<24x16xf32, #tpu.memory_space<vmem>>
          tpu.enqueue_dma source(%dma_start3A_218 : memref<24x16xf32, #tpu.memory_space<vmem>>) target(%dma_start3A_215 : memref<24x16xf32, #tpu.memory_space<vmem_shared>>) target_semaphore(%run_scoped3A : memref<!tpu.dma_semaphore, #tpu.memory_space<semaphore_mem>>)
          %dma_wait3A = arith.constant 0 : i32
          %dma_wait3A_219 = arith.constant 0 : i32
          %dma_wait3A_220 = tpu.memref_slice %arg16[%dma_wait3A, %dma_wait3A_219] : memref<64x16xf32, #tpu.memory_space<vmem>> -> memref<24x16xf32, #tpu.memory_space<vmem>>
          %dma_wait3A_221 = arith.constant 0 : i32
          %dma_wait3A_222 = tpu.memref_slice %arg20[%add3A_209, %dma_wait3A_221] : memref<6528x16xf32, #tpu.memory_space<vmem_shared>> -> memref<24x16xf32, #tpu.memory_space<vmem_shared>>
          %dma_wait3A_223 = arith.constant 0 : i32
          %dma_wait3A_224 = tpu.memref_slice %arg20[%add3A_209, %dma_wait3A_223] : memref<6528x16xf32, #tpu.memory_space<vmem_shared>> -> memref<24x16xf32, #tpu.memory_space<vmem_shared>>
          %dma_wait3A_225 = arith.constant 0 : i32
          %dma_wait3A_226 = arith.constant 0 : i32
          %dma_wait3A_227 = tpu.memref_slice %arg16[%dma_wait3A_225, %dma_wait3A_226] : memref<64x16xf32, #tpu.memory_space<vmem>> -> memref<24x16xf32, #tpu.memory_space<vmem>>
          tpu.wait_dma2 semaphore(%run_scoped3A : memref<!tpu.dma_semaphore, #tpu.memory_space<semaphore_mem>>) src(%dma_wait3A_227 : memref<24x16xf32, #tpu.memory_space<vmem>>) dst(%dma_wait3A_224 : memref<24x16xf32, #tpu.memory_space<vmem_shared>>)
          tpu.yield
        }) : () -> ()
      } else {
      }
      %barrier3A_97 = arith.constant 0 : index
      tpu.barrier barrier_id(%barrier3A_97)
      %scan3A_98 = arith.constant 0 : i32
      %scan3A_99 = arith.constant 0 : i32
      %scan3A_100 = arith.constant 1250 : i32
      %scan3A_101 = arith.addi %scan3A_99, %scan3A_100 : i32
      %scan3A_102 = arith.constant 1 : i32
      %scan3A_103 = scf.for %scan3A_196 = %scan3A_99 to %scan3A_101 step %scan3A_102 iter_args(%scan3A_197 = %scan3A_98) -> (i32)  : i32 {
        %mul3A_198 = arith.constant 16 : i32
        %mul3A_199 = arith.muli %scan3A_196, %mul3A_198 : i32
        %get3A = arith.index_cast %mul3A_199 : i32 to index
        %get3A_200 = tpu.vector_load %arg10[%get3A] {strides = array<i32>} : memref<20000xi32, #tpu.memory_space<vmem>>, vector<16xi32>,
        %and3A_201 = arith.constant 16383 : i32
        %and3A_202 = vector.broadcast %and3A_201 : i32 to vector<16xi32>
        %and3A_203 = arith.andi %get3A_200, %and3A_202 : vector<16xi32>
        %ge3A = vector.broadcast %mul3A_55 : i32 to vector<16xi32>
        %ge3A_204 = arith.cmpi sge, %and3A_203, %ge3A : vector<16xi32>
        %add3A_205 = arith.constant 400 : i32
        %add3A_206 = arith.addi %mul3A_55, %add3A_205 : i32
        %lt3A_207 = vector.broadcast %add3A_206 : i32 to vector<16xi32>
        %lt3A_208 = arith.cmpi slt, %and3A_203, %lt3A_207 : vector<16xi32>
        %and3A_209 = arith.andi %ge3A_204, %lt3A_208 : vector<16xi1>
        %convert_element_type3A_210 = arith.extui %and3A_209 : vector<16xi1> to vector<16xi32>
        %broadcast_in_dim3A_211 = arith.constant true
        %broadcast_in_dim3A_212 = vector.broadcast %broadcast_in_dim3A_211 : i1 to vector<16xi1>
        %masked_cumsum3A = tpu.scan <sum>, %convert_element_type3A_210 masked %broadcast_in_dim3A_212 : vector<16xi32>, vector<16xi1> -> vector<16xi32>
        %sub3A_213 = arith.constant 1 : i32
        %sub3A_214 = arith.subi %scan3A_197, %sub3A_213 : i32
        %add3A_215 = vector.broadcast %sub3A_214 : i32 to vector<16xi32>
        %add3A_216 = arith.addi %masked_cumsum3A, %add3A_215 : vector<16xi32>
        tpu.vector_store_idx %arg11[%add3A_216], %get3A_200 masked %and3A_209 : memref<20160xi32, #tpu.memory_space<vmem>>[vector<16xi32>], vector<16xi32>, vector<16xi1>
        %reduce_sum3A = arith.constant true
        %reduce_sum3A_217 = vector.broadcast %reduce_sum3A : i1 to vector<16xi1>
        %reduce_sum3A_218 = tpu.scan <sum>, %convert_element_type3A_210 masked %reduce_sum3A_217 : vector<16xi32>, vector<16xi1> -> vector<16xi32>
        %reduce_sum3A_219 = vector.extract %reduce_sum3A_218[15] : i32 from vector<16xi32>
        %add3A_220 = arith.addi %scan3A_197, %reduce_sum3A_219 : i32
        scf.yield %add3A_220 : i32
      }
      %scan3A_104 = arith.constant 1250 : i32
      %broadcast_in_dim3A_105 = arith.constant 0 : i32
      %broadcast_in_dim3A_106 = vector.broadcast %broadcast_in_dim3A_105 : i32 to vector<16xi32>
      %add3A_107 = arith.constant 6400 : i32
      %add3A_108 = arith.addi %mul3A_55, %add3A_107 : i32
      %add3A_109 = vector.broadcast %add3A_108 : i32 to vector<16xi32>
      %add3A_110 = arith.addi %broadcast_in_dim3A_106, %add3A_109 : vector<16xi32>
      %add3A_111 = arith.constant 0 : i32
      %add3A_112 = arith.addi %scan3A_103, %add3A_111 : i32
      %swap3A = arith.index_cast %add3A_112 : i32 to index
      %swap3A_113 = tpu.vector_load %arg11[%swap3A] {strides = array<i32>} : memref<20160xi32, #tpu.memory_space<vmem>>, vector<16xi32>,
      tpu.vector_store %arg11[%swap3A], %add3A_110 {strides = array<i32>} : memref<20160xi32, #tpu.memory_space<vmem>>, vector<16xi32>,
      %add3A_114 = arith.constant 16 : i32
      %add3A_115 = arith.addi %scan3A_103, %add3A_114 : i32
      %swap3A_116 = arith.index_cast %add3A_115 : i32 to index
      %swap3A_117 = tpu.vector_load %arg11[%swap3A_116] {strides = array<i32>} : memref<20160xi32, #tpu.memory_space<vmem>>, vector<16xi32>,
      tpu.vector_store %arg11[%swap3A_116], %add3A_110 {strides = array<i32>} : memref<20160xi32, #tpu.memory_space<vmem>>, vector<16xi32>,
      %add3A_118 = arith.constant 32 : i32
      %add3A_119 = arith.addi %scan3A_103, %add3A_118 : i32
      %swap3A_120 = arith.index_cast %add3A_119 : i32 to index
      %swap3A_121 = tpu.vector_load %arg11[%swap3A_120] {strides = array<i32>} : memref<20160xi32, #tpu.memory_space<vmem>>, vector<16xi32>,
      tpu.vector_store %arg11[%swap3A_120], %add3A_110 {strides = array<i32>} : memref<20160xi32, #tpu.memory_space<vmem>>, vector<16xi32>,
      %add3A_122 = arith.constant 48 : i32
      %add3A_123 = arith.addi %scan3A_103, %add3A_122 : i32
      %swap3A_124 = arith.index_cast %add3A_123 : i32 to index
      %swap3A_125 = tpu.vector_load %arg11[%swap3A_124] {strides = array<i32>} : memref<20160xi32, #tpu.memory_space<vmem>>, vector<16xi32>,
      tpu.vector_store %arg11[%swap3A_124], %add3A_110 {strides = array<i32>} : memref<20160xi32, #tpu.memory_space<vmem>>, vector<16xi32>,
      %add3A_126 = arith.constant 64 : i32
      %add3A_127 = arith.addi %scan3A_103, %add3A_126 : i32
      %swap3A_128 = arith.index_cast %add3A_127 : i32 to index
      %swap3A_129 = tpu.vector_load %arg11[%swap3A_128] {strides = array<i32>} : memref<20160xi32, #tpu.memory_space<vmem>>, vector<16xi32>,
      tpu.vector_store %arg11[%swap3A_128], %add3A_110 {strides = array<i32>} : memref<20160xi32, #tpu.memory_space<vmem>>, vector<16xi32>,
      %add3A_130 = arith.constant 80 : i32
      %add3A_131 = arith.addi %scan3A_103, %add3A_130 : i32
      %swap3A_132 = arith.index_cast %add3A_131 : i32 to index
      %swap3A_133 = tpu.vector_load %arg11[%swap3A_132] {strides = array<i32>} : memref<20160xi32, #tpu.memory_space<vmem>>, vector<16xi32>,
      tpu.vector_store %arg11[%swap3A_132], %add3A_110 {strides = array<i32>} : memref<20160xi32, #tpu.memory_space<vmem>>, vector<16xi32>,
      %add3A_134 = arith.constant 96 : i32
      %add3A_135 = arith.addi %scan3A_103, %add3A_134 : i32
      %swap3A_136 = arith.index_cast %add3A_135 : i32 to index
      %swap3A_137 = tpu.vector_load %arg11[%swap3A_136] {strides = array<i32>} : memref<20160xi32, #tpu.memory_space<vmem>>, vector<16xi32>,
      tpu.vector_store %arg11[%swap3A_136], %add3A_110 {strides = array<i32>} : memref<20160xi32, #tpu.memory_space<vmem>>, vector<16xi32>,
      %add3A_138 = arith.constant 112 : i32
      %add3A_139 = arith.addi %scan3A_103, %add3A_138 : i32
      %swap3A_140 = arith.index_cast %add3A_139 : i32 to index
      %swap3A_141 = tpu.vector_load %arg11[%swap3A_140] {strides = array<i32>} : memref<20160xi32, #tpu.memory_space<vmem>>, vector<16xi32>,
      tpu.vector_store %arg11[%swap3A_140], %add3A_110 {strides = array<i32>} : memref<20160xi32, #tpu.memory_space<vmem>>, vector<16xi32>,
      %add3A_142 = arith.constant 128 : i32
      %add3A_143 = arith.addi %scan3A_103, %add3A_142 : i32
      %sub3A = arith.constant 1 : i32
      %sub3A_144 = arith.subi %add3A_143, %sub3A : i32
      %jit3A_145 = arith.constant 128 : i32
      %div3A = arith.divsi %sub3A_144, %jit3A_145 : i32
      %sign3A = arith.constant 0 : i32
      %sign3A_146 = arith.cmpi sgt, %sub3A_144, %sign3A : i32
      %sign3A_147 = arith.extui %sign3A_146 : i1 to i32
      %sign3A_148 = arith.constant 0 : i32
      %sign3A_149 = arith.cmpi slt, %sub3A_144, %sign3A_148 : i32
      %sign3A_150 = arith.extui %sign3A_149 : i1 to i32
      %sign3A_151 = arith.subi %sign3A_147, %sign3A_150 : i32
      %sign3A_152 = arith.constant 0 : i32
      %sign3A_153 = arith.cmpi sgt, %jit3A_145, %sign3A_152 : i32
      %sign3A_154 = arith.extui %sign3A_153 : i1 to i32
      %sign3A_155 = arith.constant 0 : i32
      %sign3A_156 = arith.cmpi slt, %jit3A_145, %sign3A_155 : i32
      %sign3A_157 = arith.extui %sign3A_156 : i1 to i32
      %sign3A_158 = arith.subi %sign3A_154, %sign3A_157 : i32
      %ne3A_159 = arith.cmpi ne, %sign3A_151, %sign3A_158 : i32
      %rem3A_160 = arith.remsi %sub3A_144, %jit3A_145 : i32
      %ne3A_161 = arith.constant 0 : i32
      %ne3A_162 = arith.cmpi ne, %rem3A_160, %ne3A_161 : i32
      %and3A_163 = arith.andi %ne3A_159, %ne3A_162 : i1
      %sub3A_164 = arith.constant 1 : i32
      %sub3A_165 = arith.subi %div3A, %sub3A_164 : i32
      %select_n3A_166 = arith.select %and3A_163, %sub3A_165, %div3A : i32
      %while3A = arith.constant 0 : i32
      %while3A_167 = arith.constant 0 : i32
      %while3A_168 = arith.subi %select_n3A_166, %while3A : i32
      %while3A_169 = arith.addi %while3A, %while3A_168 : i32
      %while3A_170 = arith.constant 1 : i32
      %while3A_171 = arith.divsi %while3A_168, %while3A_170 : i32
      %while3A_172 = arith.muli %while3A_171, %while3A_170 : i32
      %while3A_173 = arith.addi %while3A, %while3A_172 : i32
      %while3A_174 = arith.constant 1 : i32
      %while3A_175 = scf.for %while3A_196 = %while3A to %while3A_173 step %while3A_174 iter_args(%while3A_197 = %while3A_167) -> (i32)  : i32 {
        %mul3A_198 = arith.constant 128 : i32
        %mul3A_199 = arith.muli %while3A_196, %mul3A_198 : i32
        %add3A_200 = arith.constant 0 : i32
        %add3A_201 = arith.addi %mul3A_199, %add3A_200 : i32
        %get3A = arith.index_cast %add3A_201 : i32 to index
        %get3A_202 = tpu.vector_load %arg11[%get3A] {strides = array<i32>} : memref<20160xi32, #tpu.memory_space<vmem>>, vector<16xi32>,
        %shift_right_arithmetic3A = arith.constant 14 : i32
        %shift_right_arithmetic3A_203 = vector.broadcast %shift_right_arithmetic3A : i32 to vector<16xi32>
        %shift_right_arithmetic3A_204 = arith.shrsi %get3A_202, %shift_right_arithmetic3A_203 : vector<16xi32>
        %and3A_205 = arith.constant 15 : i32
        %and3A_206 = vector.broadcast %and3A_205 : i32 to vector<16xi32>
        %and3A_207 = arith.andi %shift_right_arithmetic3A_204, %and3A_206 : vector<16xi32>
        %and3A_208 = arith.constant 16383 : i32
        %and3A_209 = vector.broadcast %and3A_208 : i32 to vector<16xi32>
        %and3A_210 = arith.andi %get3A_202, %and3A_209 : vector<16xi32>
        %sub3A_211 = vector.broadcast %mul3A_55 : i32 to vector<16xi32>
        %sub3A_212 = arith.subi %and3A_210, %sub3A_211 : vector<16xi32>
        %mul3A_213 = arith.constant 400 : i32
        %mul3A_214 = vector.broadcast %mul3A_213 : i32 to vector<16xi32>
        %mul3A_215 = arith.muli %and3A_207, %mul3A_214 : vector<16xi32>
        %add3A_216 = arith.addi %sub3A_212, %mul3A_215 : vector<16xi32>
        %swap3A_217 = arith.constant 0 : index
        %swap3A_218 = tpu.vector_load %arg12[%swap3A_217] {strides = array<i32>} : memref<128xi32, #tpu.memory_space<vmem>>, vector<16xi32>,
        tpu.vector_store %arg12[%swap3A_217], %add3A_216 {strides = array<i32>} : memref<128xi32, #tpu.memory_space<vmem>>, vector<16xi32>,
        %shift_right_logical3A = arith.constant 18 : i32
        %shift_right_logical3A_219 = vector.broadcast %shift_right_logical3A : i32 to vector<16xi32>
        %shift_right_logical3A_220 = arith.shrui %get3A_202, %shift_right_logical3A_219 : vector<16xi32>
        %swap3A_221 = arith.constant 0 : index
        %swap3A_222 = tpu.vector_load %arg13[%swap3A_221] {strides = array<i32>} : memref<128xi32, #tpu.memory_space<vmem>>, vector<16xi32>,
        tpu.vector_store %arg13[%swap3A_221], %shift_right_logical3A_220 {strides = array<i32>} : memref<128xi32, #tpu.memory_space<vmem>>, vector<16xi32>,
        %add3A_223 = arith.constant 16 : i32
        %add3A_224 = arith.addi %mul3A_199, %add3A_223 : i32
        %get3A_225 = arith.index_cast %add3A_224 : i32 to index
        %get3A_226 = tpu.vector_load %arg11[%get3A_225] {strides = array<i32>} : memref<20160xi32, #tpu.memory_space<vmem>>, vector<16xi32>,
        %shift_right_arithmetic3A_227 = arith.constant 14 : i32
        %shift_right_arithmetic3A_228 = vector.broadcast %shift_right_arithmetic3A_227 : i32 to vector<16xi32>
        %shift_right_arithmetic3A_229 = arith.shrsi %get3A_226, %shift_right_arithmetic3A_228 : vector<16xi32>
        %and3A_230 = arith.constant 15 : i32
        %and3A_231 = vector.broadcast %and3A_230 : i32 to vector<16xi32>
        %and3A_232 = arith.andi %shift_right_arithmetic3A_229, %and3A_231 : vector<16xi32>
        %and3A_233 = arith.constant 16383 : i32
        %and3A_234 = vector.broadcast %and3A_233 : i32 to vector<16xi32>
        %and3A_235 = arith.andi %get3A_226, %and3A_234 : vector<16xi32>
        %sub3A_236 = vector.broadcast %mul3A_55 : i32 to vector<16xi32>
        %sub3A_237 = arith.subi %and3A_235, %sub3A_236 : vector<16xi32>
        %mul3A_238 = arith.constant 400 : i32
        %mul3A_239 = vector.broadcast %mul3A_238 : i32 to vector<16xi32>
        %mul3A_240 = arith.muli %and3A_232, %mul3A_239 : vector<16xi32>
        %add3A_241 = arith.addi %sub3A_237, %mul3A_240 : vector<16xi32>
        %swap3A_242 = arith.constant 16 : index
        %swap3A_243 = tpu.vector_load %arg12[%swap3A_242] {strides = array<i32>} : memref<128xi32, #tpu.memory_space<vmem>>, vector<16xi32>,
        tpu.vector_store %arg12[%swap3A_242], %add3A_241 {strides = array<i32>} : memref<128xi32, #tpu.memory_space<vmem>>, vector<16xi32>,
        %shift_right_logical3A_244 = arith.constant 18 : i32
        %shift_right_logical3A_245 = vector.broadcast %shift_right_logical3A_244 : i32 to vector<16xi32>
        %shift_right_logical3A_246 = arith.shrui %get3A_226, %shift_right_logical3A_245 : vector<16xi32>
        %swap3A_247 = arith.constant 16 : index
        %swap3A_248 = tpu.vector_load %arg13[%swap3A_247] {strides = array<i32>} : memref<128xi32, #tpu.memory_space<vmem>>, vector<16xi32>,
        tpu.vector_store %arg13[%swap3A_247], %shift_right_logical3A_246 {strides = array<i32>} : memref<128xi32, #tpu.memory_space<vmem>>, vector<16xi32>,
        %add3A_249 = arith.constant 32 : i32
        %add3A_250 = arith.addi %mul3A_199, %add3A_249 : i32
        %get3A_251 = arith.index_cast %add3A_250 : i32 to index
        %get3A_252 = tpu.vector_load %arg11[%get3A_251] {strides = array<i32>} : memref<20160xi32, #tpu.memory_space<vmem>>, vector<16xi32>,
        %shift_right_arithmetic3A_253 = arith.constant 14 : i32
        %shift_right_arithmetic3A_254 = vector.broadcast %shift_right_arithmetic3A_253 : i32 to vector<16xi32>
        %shift_right_arithmetic3A_255 = arith.shrsi %get3A_252, %shift_right_arithmetic3A_254 : vector<16xi32>
        %and3A_256 = arith.constant 15 : i32
        %and3A_257 = vector.broadcast %and3A_256 : i32 to vector<16xi32>
        %and3A_258 = arith.andi %shift_right_arithmetic3A_255, %and3A_257 : vector<16xi32>
        %and3A_259 = arith.constant 16383 : i32
        %and3A_260 = vector.broadcast %and3A_259 : i32 to vector<16xi32>
        %and3A_261 = arith.andi %get3A_252, %and3A_260 : vector<16xi32>
        %sub3A_262 = vector.broadcast %mul3A_55 : i32 to vector<16xi32>
        %sub3A_263 = arith.subi %and3A_261, %sub3A_262 : vector<16xi32>
        %mul3A_264 = arith.constant 400 : i32
        %mul3A_265 = vector.broadcast %mul3A_264 : i32 to vector<16xi32>
        %mul3A_266 = arith.muli %and3A_258, %mul3A_265 : vector<16xi32>
        %add3A_267 = arith.addi %sub3A_263, %mul3A_266 : vector<16xi32>
        %swap3A_268 = arith.constant 32 : index
        %swap3A_269 = tpu.vector_load %arg12[%swap3A_268] {strides = array<i32>} : memref<128xi32, #tpu.memory_space<vmem>>, vector<16xi32>,
        tpu.vector_store %arg12[%swap3A_268], %add3A_267 {strides = array<i32>} : memref<128xi32, #tpu.memory_space<vmem>>, vector<16xi32>,
        %shift_right_logical3A_270 = arith.constant 18 : i32
        %shift_right_logical3A_271 = vector.broadcast %shift_right_logical3A_270 : i32 to vector<16xi32>
        %shift_right_logical3A_272 = arith.shrui %get3A_252, %shift_right_logical3A_271 : vector<16xi32>
        %swap3A_273 = arith.constant 32 : index
        %swap3A_274 = tpu.vector_load %arg13[%swap3A_273] {strides = array<i32>} : memref<128xi32, #tpu.memory_space<vmem>>, vector<16xi32>,
        tpu.vector_store %arg13[%swap3A_273], %shift_right_logical3A_272 {strides = array<i32>} : memref<128xi32, #tpu.memory_space<vmem>>, vector<16xi32>,
        %add3A_275 = arith.constant 48 : i32
        %add3A_276 = arith.addi %mul3A_199, %add3A_275 : i32
        %get3A_277 = arith.index_cast %add3A_276 : i32 to index
        %get3A_278 = tpu.vector_load %arg11[%get3A_277] {strides = array<i32>} : memref<20160xi32, #tpu.memory_space<vmem>>, vector<16xi32>,
        %shift_right_arithmetic3A_279 = arith.constant 14 : i32
        %shift_right_arithmetic3A_280 = vector.broadcast %shift_right_arithmetic3A_279 : i32 to vector<16xi32>
        %shift_right_arithmetic3A_281 = arith.shrsi %get3A_278, %shift_right_arithmetic3A_280 : vector<16xi32>
        %and3A_282 = arith.constant 15 : i32
        %and3A_283 = vector.broadcast %and3A_282 : i32 to vector<16xi32>
        %and3A_284 = arith.andi %shift_right_arithmetic3A_281, %and3A_283 : vector<16xi32>
        %and3A_285 = arith.constant 16383 : i32
        %and3A_286 = vector.broadcast %and3A_285 : i32 to vector<16xi32>
        %and3A_287 = arith.andi %get3A_278, %and3A_286 : vector<16xi32>
        %sub3A_288 = vector.broadcast %mul3A_55 : i32 to vector<16xi32>
        %sub3A_289 = arith.subi %and3A_287, %sub3A_288 : vector<16xi32>
        %mul3A_290 = arith.constant 400 : i32
        %mul3A_291 = vector.broadcast %mul3A_290 : i32 to vector<16xi32>
        %mul3A_292 = arith.muli %and3A_284, %mul3A_291 : vector<16xi32>
        %add3A_293 = arith.addi %sub3A_289, %mul3A_292 : vector<16xi32>
        %swap3A_294 = arith.constant 48 : index
        %swap3A_295 = tpu.vector_load %arg12[%swap3A_294] {strides = array<i32>} : memref<128xi32, #tpu.memory_space<vmem>>, vector<16xi32>,
        tpu.vector_store %arg12[%swap3A_294], %add3A_293 {strides = array<i32>} : memref<128xi32, #tpu.memory_space<vmem>>, vector<16xi32>,
        %shift_right_logical3A_296 = arith.constant 18 : i32
        %shift_right_logical3A_297 = vector.broadcast %shift_right_logical3A_296 : i32 to vector<16xi32>
        %shift_right_logical3A_298 = arith.shrui %get3A_278, %shift_right_logical3A_297 : vector<16xi32>
        %swap3A_299 = arith.constant 48 : index
        %swap3A_300 = tpu.vector_load %arg13[%swap3A_299] {strides = array<i32>} : memref<128xi32, #tpu.memory_space<vmem>>, vector<16xi32>,
        tpu.vector_store %arg13[%swap3A_299], %shift_right_logical3A_298 {strides = array<i32>} : memref<128xi32, #tpu.memory_space<vmem>>, vector<16xi32>,
        %add3A_301 = arith.constant 64 : i32
        %add3A_302 = arith.addi %mul3A_199, %add3A_301 : i32
        %get3A_303 = arith.index_cast %add3A_302 : i32 to index
        %get3A_304 = tpu.vector_load %arg11[%get3A_303] {strides = array<i32>} : memref<20160xi32, #tpu.memory_space<vmem>>, vector<16xi32>,
        %shift_right_arithmetic3A_305 = arith.constant 14 : i32
        %shift_right_arithmetic3A_306 = vector.broadcast %shift_right_arithmetic3A_305 : i32 to vector<16xi32>
        %shift_right_arithmetic3A_307 = arith.shrsi %get3A_304, %shift_right_arithmetic3A_306 : vector<16xi32>
        %and3A_308 = arith.constant 15 : i32
        %and3A_309 = vector.broadcast %and3A_308 : i32 to vector<16xi32>
        %and3A_310 = arith.andi %shift_right_arithmetic3A_307, %and3A_309 : vector<16xi32>
        %and3A_311 = arith.constant 16383 : i32
        %and3A_312 = vector.broadcast %and3A_311 : i32 to vector<16xi32>
        %and3A_313 = arith.andi %get3A_304, %and3A_312 : vector<16xi32>
        %sub3A_314 = vector.broadcast %mul3A_55 : i32 to vector<16xi32>
        %sub3A_315 = arith.subi %and3A_313, %sub3A_314 : vector<16xi32>
        %mul3A_316 = arith.constant 400 : i32
        %mul3A_317 = vector.broadcast %mul3A_316 : i32 to vector<16xi32>
        %mul3A_318 = arith.muli %and3A_310, %mul3A_317 : vector<16xi32>
        %add3A_319 = arith.addi %sub3A_315, %mul3A_318 : vector<16xi32>
        %swap3A_320 = arith.constant 64 : index
        %swap3A_321 = tpu.vector_load %arg12[%swap3A_320] {strides = array<i32>} : memref<128xi32, #tpu.memory_space<vmem>>, vector<16xi32>,
        tpu.vector_store %arg12[%swap3A_320], %add3A_319 {strides = array<i32>} : memref<128xi32, #tpu.memory_space<vmem>>, vector<16xi32>,
        %shift_right_logical3A_322 = arith.constant 18 : i32
        %shift_right_logical3A_323 = vector.broadcast %shift_right_logical3A_322 : i32 to vector<16xi32>
        %shift_right_logical3A_324 = arith.shrui %get3A_304, %shift_right_logical3A_323 : vector<16xi32>
        %swap3A_325 = arith.constant 64 : index
        %swap3A_326 = tpu.vector_load %arg13[%swap3A_325] {strides = array<i32>} : memref<128xi32, #tpu.memory_space<vmem>>, vector<16xi32>,
        tpu.vector_store %arg13[%swap3A_325], %shift_right_logical3A_324 {strides = array<i32>} : memref<128xi32, #tpu.memory_space<vmem>>, vector<16xi32>,
        %add3A_327 = arith.constant 80 : i32
        %add3A_328 = arith.addi %mul3A_199, %add3A_327 : i32
        %get3A_329 = arith.index_cast %add3A_328 : i32 to index
        %get3A_330 = tpu.vector_load %arg11[%get3A_329] {strides = array<i32>} : memref<20160xi32, #tpu.memory_space<vmem>>, vector<16xi32>,
        %shift_right_arithmetic3A_331 = arith.constant 14 : i32
        %shift_right_arithmetic3A_332 = vector.broadcast %shift_right_arithmetic3A_331 : i32 to vector<16xi32>
        %shift_right_arithmetic3A_333 = arith.shrsi %get3A_330, %shift_right_arithmetic3A_332 : vector<16xi32>
        %and3A_334 = arith.constant 15 : i32
        %and3A_335 = vector.broadcast %and3A_334 : i32 to vector<16xi32>
        %and3A_336 = arith.andi %shift_right_arithmetic3A_333, %and3A_335 : vector<16xi32>
        %and3A_337 = arith.constant 16383 : i32
        %and3A_338 = vector.broadcast %and3A_337 : i32 to vector<16xi32>
        %and3A_339 = arith.andi %get3A_330, %and3A_338 : vector<16xi32>
        %sub3A_340 = vector.broadcast %mul3A_55 : i32 to vector<16xi32>
        %sub3A_341 = arith.subi %and3A_339, %sub3A_340 : vector<16xi32>
        %mul3A_342 = arith.constant 400 : i32
        %mul3A_343 = vector.broadcast %mul3A_342 : i32 to vector<16xi32>
        %mul3A_344 = arith.muli %and3A_336, %mul3A_343 : vector<16xi32>
        %add3A_345 = arith.addi %sub3A_341, %mul3A_344 : vector<16xi32>
        %swap3A_346 = arith.constant 80 : index
        %swap3A_347 = tpu.vector_load %arg12[%swap3A_346] {strides = array<i32>} : memref<128xi32, #tpu.memory_space<vmem>>, vector<16xi32>,
        tpu.vector_store %arg12[%swap3A_346], %add3A_345 {strides = array<i32>} : memref<128xi32, #tpu.memory_space<vmem>>, vector<16xi32>,
        %shift_right_logical3A_348 = arith.constant 18 : i32
        %shift_right_logical3A_349 = vector.broadcast %shift_right_logical3A_348 : i32 to vector<16xi32>
        %shift_right_logical3A_350 = arith.shrui %get3A_330, %shift_right_logical3A_349 : vector<16xi32>
        %swap3A_351 = arith.constant 80 : index
        %swap3A_352 = tpu.vector_load %arg13[%swap3A_351] {strides = array<i32>} : memref<128xi32, #tpu.memory_space<vmem>>, vector<16xi32>,
        tpu.vector_store %arg13[%swap3A_351], %shift_right_logical3A_350 {strides = array<i32>} : memref<128xi32, #tpu.memory_space<vmem>>, vector<16xi32>,
        %add3A_353 = arith.constant 96 : i32
        %add3A_354 = arith.addi %mul3A_199, %add3A_353 : i32
        %get3A_355 = arith.index_cast %add3A_354 : i32 to index
        %get3A_356 = tpu.vector_load %arg11[%get3A_355] {strides = array<i32>} : memref<20160xi32, #tpu.memory_space<vmem>>, vector<16xi32>,
        %shift_right_arithmetic3A_357 = arith.constant 14 : i32
        %shift_right_arithmetic3A_358 = vector.broadcast %shift_right_arithmetic3A_357 : i32 to vector<16xi32>
        %shift_right_arithmetic3A_359 = arith.shrsi %get3A_356, %shift_right_arithmetic3A_358 : vector<16xi32>
        %and3A_360 = arith.constant 15 : i32
        %and3A_361 = vector.broadcast %and3A_360 : i32 to vector<16xi32>
        %and3A_362 = arith.andi %shift_right_arithmetic3A_359, %and3A_361 : vector<16xi32>
        %and3A_363 = arith.constant 16383 : i32
        %and3A_364 = vector.broadcast %and3A_363 : i32 to vector<16xi32>
        %and3A_365 = arith.andi %get3A_356, %and3A_364 : vector<16xi32>
        %sub3A_366 = vector.broadcast %mul3A_55 : i32 to vector<16xi32>
        %sub3A_367 = arith.subi %and3A_365, %sub3A_366 : vector<16xi32>
        %mul3A_368 = arith.constant 400 : i32
        %mul3A_369 = vector.broadcast %mul3A_368 : i32 to vector<16xi32>
        %mul3A_370 = arith.muli %and3A_362, %mul3A_369 : vector<16xi32>
        %add3A_371 = arith.addi %sub3A_367, %mul3A_370 : vector<16xi32>
        %swap3A_372 = arith.constant 96 : index
        %swap3A_373 = tpu.vector_load %arg12[%swap3A_372] {strides = array<i32>} : memref<128xi32, #tpu.memory_space<vmem>>, vector<16xi32>,
        tpu.vector_store %arg12[%swap3A_372], %add3A_371 {strides = array<i32>} : memref<128xi32, #tpu.memory_space<vmem>>, vector<16xi32>,
        %shift_right_logical3A_374 = arith.constant 18 : i32
        %shift_right_logical3A_375 = vector.broadcast %shift_right_logical3A_374 : i32 to vector<16xi32>
        %shift_right_logical3A_376 = arith.shrui %get3A_356, %shift_right_logical3A_375 : vector<16xi32>
        %swap3A_377 = arith.constant 96 : index
        %swap3A_378 = tpu.vector_load %arg13[%swap3A_377] {strides = array<i32>} : memref<128xi32, #tpu.memory_space<vmem>>, vector<16xi32>,
        tpu.vector_store %arg13[%swap3A_377], %shift_right_logical3A_376 {strides = array<i32>} : memref<128xi32, #tpu.memory_space<vmem>>, vector<16xi32>,
        %add3A_379 = arith.constant 112 : i32
        %add3A_380 = arith.addi %mul3A_199, %add3A_379 : i32
        %get3A_381 = arith.index_cast %add3A_380 : i32 to index
        %get3A_382 = tpu.vector_load %arg11[%get3A_381] {strides = array<i32>} : memref<20160xi32, #tpu.memory_space<vmem>>, vector<16xi32>,
        %shift_right_arithmetic3A_383 = arith.constant 14 : i32
        %shift_right_arithmetic3A_384 = vector.broadcast %shift_right_arithmetic3A_383 : i32 to vector<16xi32>
        %shift_right_arithmetic3A_385 = arith.shrsi %get3A_382, %shift_right_arithmetic3A_384 : vector<16xi32>
        %and3A_386 = arith.constant 15 : i32
        %and3A_387 = vector.broadcast %and3A_386 : i32 to vector<16xi32>
        %and3A_388 = arith.andi %shift_right_arithmetic3A_385, %and3A_387 : vector<16xi32>
        %and3A_389 = arith.constant 16383 : i32
        %and3A_390 = vector.broadcast %and3A_389 : i32 to vector<16xi32>
        %and3A_391 = arith.andi %get3A_382, %and3A_390 : vector<16xi32>
        %sub3A_392 = vector.broadcast %mul3A_55 : i32 to vector<16xi32>
        %sub3A_393 = arith.subi %and3A_391, %sub3A_392 : vector<16xi32>
        %mul3A_394 = arith.constant 400 : i32
        %mul3A_395 = vector.broadcast %mul3A_394 : i32 to vector<16xi32>
        %mul3A_396 = arith.muli %and3A_388, %mul3A_395 : vector<16xi32>
        %add3A_397 = arith.addi %sub3A_393, %mul3A_396 : vector<16xi32>
        %swap3A_398 = arith.constant 112 : index
        %swap3A_399 = tpu.vector_load %arg12[%swap3A_398] {strides = array<i32>} : memref<128xi32, #tpu.memory_space<vmem>>, vector<16xi32>,
        tpu.vector_store %arg12[%swap3A_398], %add3A_397 {strides = array<i32>} : memref<128xi32, #tpu.memory_space<vmem>>, vector<16xi32>,
        %shift_right_logical3A_400 = arith.constant 18 : i32
        %shift_right_logical3A_401 = vector.broadcast %shift_right_logical3A_400 : i32 to vector<16xi32>
        %shift_right_logical3A_402 = arith.shrui %get3A_382, %shift_right_logical3A_401 : vector<16xi32>
        %swap3A_403 = arith.constant 112 : index
        %swap3A_404 = tpu.vector_load %arg13[%swap3A_403] {strides = array<i32>} : memref<128xi32, #tpu.memory_space<vmem>>, vector<16xi32>,
        tpu.vector_store %arg13[%swap3A_403], %shift_right_logical3A_402 {strides = array<i32>} : memref<128xi32, #tpu.memory_space<vmem>>, vector<16xi32>,
        %dma_start3A = arith.constant 0 : i32
        %dma_start3A_405 = arith.constant 0 : i32
        %dma_start3A_406 = tpu.memref_slice %arg18[%dma_start3A, %dma_start3A_405] : memref<10000x64xf32, #tpu.memory_space<vmem_shared>> -> memref<10000x64xf32, #tpu.memory_space<vmem_shared>>
        tpu.enqueue_indirect_dma source(%dma_start3A_406 : memref<10000x64xf32, #tpu.memory_space<vmem_shared>>) target(%arg14 : memref<128x64xf32, #tpu.memory_space<vmem>>) offsets(%arg13 : memref<128xi32, #tpu.memory_space<vmem>>) semaphore(%arg21 : memref<!tpu.dma_semaphore, #tpu.memory_space<semaphore_mem>>)
        %dma_wait3A = arith.constant 0 : i32
        %dma_wait3A_407 = arith.constant 0 : i32
        %dma_wait3A_408 = tpu.memref_slice %arg18[%dma_wait3A, %dma_wait3A_407] : memref<10000x64xf32, #tpu.memory_space<vmem_shared>> -> memref<10000x64xf32, #tpu.memory_space<vmem_shared>>
        tpu.wait_indirect_dma semaphore(%arg21 : memref<!tpu.dma_semaphore, #tpu.memory_space<semaphore_mem>>) src(%dma_wait3A_408 : memref<10000x64xf32, #tpu.memory_space<vmem_shared>>) dst(%arg14 : memref<128x64xf32, #tpu.memory_space<vmem>>)
        "tpu.region"() ({
          %run_scoped3A = tpu.sem_alloc : memref<!tpu.dma_semaphore, #tpu.memory_space<semaphore_mem>>
          %dma_start3A_413 = arith.constant 0 : i32
          %dma_start3A_414 = arith.constant 0 : i32
          %dma_start3A_415 = tpu.memref_slice %arg19[%dma_start3A_413, %dma_start3A_414] : memref<6528x64xf32, #tpu.memory_space<vmem_shared>> -> memref<6528x64xf32, #tpu.memory_space<vmem_shared>>
          tpu.enqueue_indirect_dma source(%arg14 : memref<128x64xf32, #tpu.memory_space<vmem>>) target(%dma_start3A_415 : memref<6528x64xf32, #tpu.memory_space<vmem_shared>>) offsets(%arg12 : memref<128xi32, #tpu.memory_space<vmem>>) semaphore(%run_scoped3A : memref<!tpu.dma_semaphore, #tpu.memory_space<semaphore_mem>>) {add = true}
          %dma_wait3A_416 = arith.constant 0 : i32
          %dma_wait3A_417 = arith.constant 0 : i32
          %dma_wait3A_418 = tpu.memref_slice %arg19[%dma_wait3A_416, %dma_wait3A_417] : memref<6528x64xf32, #tpu.memory_space<vmem_shared>> -> memref<6528x64xf32, #tpu.memory_space<vmem_shared>>
          tpu.wait_indirect_dma semaphore(%run_scoped3A : memref<!tpu.dma_semaphore, #tpu.memory_space<semaphore_mem>>) src(%arg14 : memref<128x64xf32, #tpu.memory_space<vmem>>) dst(%dma_wait3A_418 : memref<6528x64xf32, #tpu.memory_space<vmem_shared>>)
          tpu.yield
        }) : () -> ()
        %convert_element_type3A_409 = arith.extui %eq3A_65 : i1 to i32
        %cond3A_410 = arith.constant 0 : i32
        %cond3A_411 = arith.cmpi ne, %convert_element_type3A_409, %cond3A_410 : i32
        scf.if %cond3A_411 {
          "tpu.region"() ({
            %run_scoped3A = tpu.sem_alloc : memref<!tpu.dma_semaphore, #tpu.memory_space<semaphore_mem>>
            %dma_start3A_413 = arith.constant 0 : i32
            %dma_start3A_414 = arith.constant 0 : i32
            %dma_start3A_415 = tpu.memref_slice %arg20[%dma_start3A_413, %dma_start3A_414] : memref<6528x16xf32, #tpu.memory_space<vmem_shared>> -> memref<6528x16xf32, #tpu.memory_space<vmem_shared>>
            tpu.enqueue_indirect_dma source(%arg17 : memref<128x16xf32, #tpu.memory_space<vmem>>) target(%dma_start3A_415 : memref<6528x16xf32, #tpu.memory_space<vmem_shared>>) offsets(%arg12 : memref<128xi32, #tpu.memory_space<vmem>>) semaphore(%run_scoped3A : memref<!tpu.dma_semaphore, #tpu.memory_space<semaphore_mem>>) {add = true}
            %dma_wait3A_416 = arith.constant 0 : i32
            %dma_wait3A_417 = arith.constant 0 : i32
            %dma_wait3A_418 = tpu.memref_slice %arg20[%dma_wait3A_416, %dma_wait3A_417] : memref<6528x16xf32, #tpu.memory_space<vmem_shared>> -> memref<6528x16xf32, #tpu.memory_space<vmem_shared>>
            tpu.wait_indirect_dma semaphore(%run_scoped3A : memref<!tpu.dma_semaphore, #tpu.memory_space<semaphore_mem>>) src(%arg17 : memref<128x16xf32, #tpu.memory_space<vmem>>) dst(%dma_wait3A_418 : memref<6528x16xf32, #tpu.memory_space<vmem_shared>>)
            tpu.yield
          }) : () -> ()
        } else {
        }
        %while3A_412 = arith.constant 0 : i32
        scf.yield %while3A_412 : i32
      }
      %while3A_176 = arith.constant 1 : i32
      %while3A_177 = scf.for %while3A_196 = %while3A_173 to %while3A_169 step %while3A_176 iter_args(%while3A_197 = %while3A_175) -> (i32)  : i32 {
        %mul3A_198 = arith.constant 128 : i32
        %mul3A_199 = arith.muli %while3A_196, %mul3A_198 : i32
        %add3A_200 = arith.constant 0 : i32
        %add3A_201 = arith.addi %mul3A_199, %add3A_200 : i32
        %get3A = arith.index_cast %add3A_201 : i32 to index
        %get3A_202 = tpu.vector_load %arg11[%get3A] {strides = array<i32>} : memref<20160xi32, #tpu.memory_space<vmem>>, vector<16xi32>,
        %shift_right_arithmetic3A = arith.constant 14 : i32
        %shift_right_arithmetic3A_203 = vector.broadcast %shift_right_arithmetic3A : i32 to vector<16xi32>
        %shift_right_arithmetic3A_204 = arith.shrsi %get3A_202, %shift_right_arithmetic3A_203 : vector<16xi32>
        %and3A_205 = arith.constant 15 : i32
        %and3A_206 = vector.broadcast %and3A_205 : i32 to vector<16xi32>
        %and3A_207 = arith.andi %shift_right_arithmetic3A_204, %and3A_206 : vector<16xi32>
        %and3A_208 = arith.constant 16383 : i32
        %and3A_209 = vector.broadcast %and3A_208 : i32 to vector<16xi32>
        %and3A_210 = arith.andi %get3A_202, %and3A_209 : vector<16xi32>
        %sub3A_211 = vector.broadcast %mul3A_55 : i32 to vector<16xi32>
        %sub3A_212 = arith.subi %and3A_210, %sub3A_211 : vector<16xi32>
        %mul3A_213 = arith.constant 400 : i32
        %mul3A_214 = vector.broadcast %mul3A_213 : i32 to vector<16xi32>
        %mul3A_215 = arith.muli %and3A_207, %mul3A_214 : vector<16xi32>
        %add3A_216 = arith.addi %sub3A_212, %mul3A_215 : vector<16xi32>
        %swap3A_217 = arith.constant 0 : index
        %swap3A_218 = tpu.vector_load %arg12[%swap3A_217] {strides = array<i32>} : memref<128xi32, #tpu.memory_space<vmem>>, vector<16xi32>,
        tpu.vector_store %arg12[%swap3A_217], %add3A_216 {strides = array<i32>} : memref<128xi32, #tpu.memory_space<vmem>>, vector<16xi32>,
        %shift_right_logical3A = arith.constant 18 : i32
        %shift_right_logical3A_219 = vector.broadcast %shift_right_logical3A : i32 to vector<16xi32>
        %shift_right_logical3A_220 = arith.shrui %get3A_202, %shift_right_logical3A_219 : vector<16xi32>
        %swap3A_221 = arith.constant 0 : index
        %swap3A_222 = tpu.vector_load %arg13[%swap3A_221] {strides = array<i32>} : memref<128xi32, #tpu.memory_space<vmem>>, vector<16xi32>,
        tpu.vector_store %arg13[%swap3A_221], %shift_right_logical3A_220 {strides = array<i32>} : memref<128xi32, #tpu.memory_space<vmem>>, vector<16xi32>,
        %add3A_223 = arith.constant 16 : i32
        %add3A_224 = arith.addi %mul3A_199, %add3A_223 : i32
        %get3A_225 = arith.index_cast %add3A_224 : i32 to index
        %get3A_226 = tpu.vector_load %arg11[%get3A_225] {strides = array<i32>} : memref<20160xi32, #tpu.memory_space<vmem>>, vector<16xi32>,
        %shift_right_arithmetic3A_227 = arith.constant 14 : i32
        %shift_right_arithmetic3A_228 = vector.broadcast %shift_right_arithmetic3A_227 : i32 to vector<16xi32>
        %shift_right_arithmetic3A_229 = arith.shrsi %get3A_226, %shift_right_arithmetic3A_228 : vector<16xi32>
        %and3A_230 = arith.constant 15 : i32
        %and3A_231 = vector.broadcast %and3A_230 : i32 to vector<16xi32>
        %and3A_232 = arith.andi %shift_right_arithmetic3A_229, %and3A_231 : vector<16xi32>
        %and3A_233 = arith.constant 16383 : i32
        %and3A_234 = vector.broadcast %and3A_233 : i32 to vector<16xi32>
        %and3A_235 = arith.andi %get3A_226, %and3A_234 : vector<16xi32>
        %sub3A_236 = vector.broadcast %mul3A_55 : i32 to vector<16xi32>
        %sub3A_237 = arith.subi %and3A_235, %sub3A_236 : vector<16xi32>
        %mul3A_238 = arith.constant 400 : i32
        %mul3A_239 = vector.broadcast %mul3A_238 : i32 to vector<16xi32>
        %mul3A_240 = arith.muli %and3A_232, %mul3A_239 : vector<16xi32>
        %add3A_241 = arith.addi %sub3A_237, %mul3A_240 : vector<16xi32>
        %swap3A_242 = arith.constant 16 : index
        %swap3A_243 = tpu.vector_load %arg12[%swap3A_242] {strides = array<i32>} : memref<128xi32, #tpu.memory_space<vmem>>, vector<16xi32>,
        tpu.vector_store %arg12[%swap3A_242], %add3A_241 {strides = array<i32>} : memref<128xi32, #tpu.memory_space<vmem>>, vector<16xi32>,
        %shift_right_logical3A_244 = arith.constant 18 : i32
        %shift_right_logical3A_245 = vector.broadcast %shift_right_logical3A_244 : i32 to vector<16xi32>
        %shift_right_logical3A_246 = arith.shrui %get3A_226, %shift_right_logical3A_245 : vector<16xi32>
        %swap3A_247 = arith.constant 16 : index
        %swap3A_248 = tpu.vector_load %arg13[%swap3A_247] {strides = array<i32>} : memref<128xi32, #tpu.memory_space<vmem>>, vector<16xi32>,
        tpu.vector_store %arg13[%swap3A_247], %shift_right_logical3A_246 {strides = array<i32>} : memref<128xi32, #tpu.memory_space<vmem>>, vector<16xi32>,
        %add3A_249 = arith.constant 32 : i32
        %add3A_250 = arith.addi %mul3A_199, %add3A_249 : i32
        %get3A_251 = arith.index_cast %add3A_250 : i32 to index
        %get3A_252 = tpu.vector_load %arg11[%get3A_251] {strides = array<i32>} : memref<20160xi32, #tpu.memory_space<vmem>>, vector<16xi32>,
        %shift_right_arithmetic3A_253 = arith.constant 14 : i32
        %shift_right_arithmetic3A_254 = vector.broadcast %shift_right_arithmetic3A_253 : i32 to vector<16xi32>
        %shift_right_arithmetic3A_255 = arith.shrsi %get3A_252, %shift_right_arithmetic3A_254 : vector<16xi32>
        %and3A_256 = arith.constant 15 : i32
        %and3A_257 = vector.broadcast %and3A_256 : i32 to vector<16xi32>
        %and3A_258 = arith.andi %shift_right_arithmetic3A_255, %and3A_257 : vector<16xi32>
        %and3A_259 = arith.constant 16383 : i32
        %and3A_260 = vector.broadcast %and3A_259 : i32 to vector<16xi32>
        %and3A_261 = arith.andi %get3A_252, %and3A_260 : vector<16xi32>
        %sub3A_262 = vector.broadcast %mul3A_55 : i32 to vector<16xi32>
        %sub3A_263 = arith.subi %and3A_261, %sub3A_262 : vector<16xi32>
        %mul3A_264 = arith.constant 400 : i32
        %mul3A_265 = vector.broadcast %mul3A_264 : i32 to vector<16xi32>
        %mul3A_266 = arith.muli %and3A_258, %mul3A_265 : vector<16xi32>
        %add3A_267 = arith.addi %sub3A_263, %mul3A_266 : vector<16xi32>
        %swap3A_268 = arith.constant 32 : index
        %swap3A_269 = tpu.vector_load %arg12[%swap3A_268] {strides = array<i32>} : memref<128xi32, #tpu.memory_space<vmem>>, vector<16xi32>,
        tpu.vector_store %arg12[%swap3A_268], %add3A_267 {strides = array<i32>} : memref<128xi32, #tpu.memory_space<vmem>>, vector<16xi32>,
        %shift_right_logical3A_270 = arith.constant 18 : i32
        %shift_right_logical3A_271 = vector.broadcast %shift_right_logical3A_270 : i32 to vector<16xi32>
        %shift_right_logical3A_272 = arith.shrui %get3A_252, %shift_right_logical3A_271 : vector<16xi32>
        %swap3A_273 = arith.constant 32 : index
        %swap3A_274 = tpu.vector_load %arg13[%swap3A_273] {strides = array<i32>} : memref<128xi32, #tpu.memory_space<vmem>>, vector<16xi32>,
        tpu.vector_store %arg13[%swap3A_273], %shift_right_logical3A_272 {strides = array<i32>} : memref<128xi32, #tpu.memory_space<vmem>>, vector<16xi32>,
        %add3A_275 = arith.constant 48 : i32
        %add3A_276 = arith.addi %mul3A_199, %add3A_275 : i32
        %get3A_277 = arith.index_cast %add3A_276 : i32 to index
        %get3A_278 = tpu.vector_load %arg11[%get3A_277] {strides = array<i32>} : memref<20160xi32, #tpu.memory_space<vmem>>, vector<16xi32>,
        %shift_right_arithmetic3A_279 = arith.constant 14 : i32
        %shift_right_arithmetic3A_280 = vector.broadcast %shift_right_arithmetic3A_279 : i32 to vector<16xi32>
        %shift_right_arithmetic3A_281 = arith.shrsi %get3A_278, %shift_right_arithmetic3A_280 : vector<16xi32>
        %and3A_282 = arith.constant 15 : i32
        %and3A_283 = vector.broadcast %and3A_282 : i32 to vector<16xi32>
        %and3A_284 = arith.andi %shift_right_arithmetic3A_281, %and3A_283 : vector<16xi32>
        %and3A_285 = arith.constant 16383 : i32
        %and3A_286 = vector.broadcast %and3A_285 : i32 to vector<16xi32>
        %and3A_287 = arith.andi %get3A_278, %and3A_286 : vector<16xi32>
        %sub3A_288 = vector.broadcast %mul3A_55 : i32 to vector<16xi32>
        %sub3A_289 = arith.subi %and3A_287, %sub3A_288 : vector<16xi32>
        %mul3A_290 = arith.constant 400 : i32
        %mul3A_291 = vector.broadcast %mul3A_290 : i32 to vector<16xi32>
        %mul3A_292 = arith.muli %and3A_284, %mul3A_291 : vector<16xi32>
        %add3A_293 = arith.addi %sub3A_289, %mul3A_292 : vector<16xi32>
        %swap3A_294 = arith.constant 48 : index
        %swap3A_295 = tpu.vector_load %arg12[%swap3A_294] {strides = array<i32>} : memref<128xi32, #tpu.memory_space<vmem>>, vector<16xi32>,
        tpu.vector_store %arg12[%swap3A_294], %add3A_293 {strides = array<i32>} : memref<128xi32, #tpu.memory_space<vmem>>, vector<16xi32>,
        %shift_right_logical3A_296 = arith.constant 18 : i32
        %shift_right_logical3A_297 = vector.broadcast %shift_right_logical3A_296 : i32 to vector<16xi32>
        %shift_right_logical3A_298 = arith.shrui %get3A_278, %shift_right_logical3A_297 : vector<16xi32>
        %swap3A_299 = arith.constant 48 : index
        %swap3A_300 = tpu.vector_load %arg13[%swap3A_299] {strides = array<i32>} : memref<128xi32, #tpu.memory_space<vmem>>, vector<16xi32>,
        tpu.vector_store %arg13[%swap3A_299], %shift_right_logical3A_298 {strides = array<i32>} : memref<128xi32, #tpu.memory_space<vmem>>, vector<16xi32>,
        %add3A_301 = arith.constant 64 : i32
        %add3A_302 = arith.addi %mul3A_199, %add3A_301 : i32
        %get3A_303 = arith.index_cast %add3A_302 : i32 to index
        %get3A_304 = tpu.vector_load %arg11[%get3A_303] {strides = array<i32>} : memref<20160xi32, #tpu.memory_space<vmem>>, vector<16xi32>,
        %shift_right_arithmetic3A_305 = arith.constant 14 : i32
        %shift_right_arithmetic3A_306 = vector.broadcast %shift_right_arithmetic3A_305 : i32 to vector<16xi32>
        %shift_right_arithmetic3A_307 = arith.shrsi %get3A_304, %shift_right_arithmetic3A_306 : vector<16xi32>
        %and3A_308 = arith.constant 15 : i32
        %and3A_309 = vector.broadcast %and3A_308 : i32 to vector<16xi32>
        %and3A_310 = arith.andi %shift_right_arithmetic3A_307, %and3A_309 : vector<16xi32>
        %and3A_311 = arith.constant 16383 : i32
        %and3A_312 = vector.broadcast %and3A_311 : i32 to vector<16xi32>
        %and3A_313 = arith.andi %get3A_304, %and3A_312 : vector<16xi32>
        %sub3A_314 = vector.broadcast %mul3A_55 : i32 to vector<16xi32>
        %sub3A_315 = arith.subi %and3A_313, %sub3A_314 : vector<16xi32>
        %mul3A_316 = arith.constant 400 : i32
        %mul3A_317 = vector.broadcast %mul3A_316 : i32 to vector<16xi32>
        %mul3A_318 = arith.muli %and3A_310, %mul3A_317 : vector<16xi32>
        %add3A_319 = arith.addi %sub3A_315, %mul3A_318 : vector<16xi32>
        %swap3A_320 = arith.constant 64 : index
        %swap3A_321 = tpu.vector_load %arg12[%swap3A_320] {strides = array<i32>} : memref<128xi32, #tpu.memory_space<vmem>>, vector<16xi32>,
        tpu.vector_store %arg12[%swap3A_320], %add3A_319 {strides = array<i32>} : memref<128xi32, #tpu.memory_space<vmem>>, vector<16xi32>,
        %shift_right_logical3A_322 = arith.constant 18 : i32
        %shift_right_logical3A_323 = vector.broadcast %shift_right_logical3A_322 : i32 to vector<16xi32>
        %shift_right_logical3A_324 = arith.shrui %get3A_304, %shift_right_logical3A_323 : vector<16xi32>
        %swap3A_325 = arith.constant 64 : index
        %swap3A_326 = tpu.vector_load %arg13[%swap3A_325] {strides = array<i32>} : memref<128xi32, #tpu.memory_space<vmem>>, vector<16xi32>,
        tpu.vector_store %arg13[%swap3A_325], %shift_right_logical3A_324 {strides = array<i32>} : memref<128xi32, #tpu.memory_space<vmem>>, vector<16xi32>,
        %add3A_327 = arith.constant 80 : i32
        %add3A_328 = arith.addi %mul3A_199, %add3A_327 : i32
        %get3A_329 = arith.index_cast %add3A_328 : i32 to index
        %get3A_330 = tpu.vector_load %arg11[%get3A_329] {strides = array<i32>} : memref<20160xi32, #tpu.memory_space<vmem>>, vector<16xi32>,
        %shift_right_arithmetic3A_331 = arith.constant 14 : i32
        %shift_right_arithmetic3A_332 = vector.broadcast %shift_right_arithmetic3A_331 : i32 to vector<16xi32>
        %shift_right_arithmetic3A_333 = arith.shrsi %get3A_330, %shift_right_arithmetic3A_332 : vector<16xi32>
        %and3A_334 = arith.constant 15 : i32
        %and3A_335 = vector.broadcast %and3A_334 : i32 to vector<16xi32>
        %and3A_336 = arith.andi %shift_right_arithmetic3A_333, %and3A_335 : vector<16xi32>
        %and3A_337 = arith.constant 16383 : i32
        %and3A_338 = vector.broadcast %and3A_337 : i32 to vector<16xi32>
        %and3A_339 = arith.andi %get3A_330, %and3A_338 : vector<16xi32>
        %sub3A_340 = vector.broadcast %mul3A_55 : i32 to vector<16xi32>
        %sub3A_341 = arith.subi %and3A_339, %sub3A_340 : vector<16xi32>
        %mul3A_342 = arith.constant 400 : i32
        %mul3A_343 = vector.broadcast %mul3A_342 : i32 to vector<16xi32>
        %mul3A_344 = arith.muli %and3A_336, %mul3A_343 : vector<16xi32>
        %add3A_345 = arith.addi %sub3A_341, %mul3A_344 : vector<16xi32>
        %swap3A_346 = arith.constant 80 : index
        %swap3A_347 = tpu.vector_load %arg12[%swap3A_346] {strides = array<i32>} : memref<128xi32, #tpu.memory_space<vmem>>, vector<16xi32>,
        tpu.vector_store %arg12[%swap3A_346], %add3A_345 {strides = array<i32>} : memref<128xi32, #tpu.memory_space<vmem>>, vector<16xi32>,
        %shift_right_logical3A_348 = arith.constant 18 : i32
        %shift_right_logical3A_349 = vector.broadcast %shift_right_logical3A_348 : i32 to vector<16xi32>
        %shift_right_logical3A_350 = arith.shrui %get3A_330, %shift_right_logical3A_349 : vector<16xi32>
        %swap3A_351 = arith.constant 80 : index
        %swap3A_352 = tpu.vector_load %arg13[%swap3A_351] {strides = array<i32>} : memref<128xi32, #tpu.memory_space<vmem>>, vector<16xi32>,
        tpu.vector_store %arg13[%swap3A_351], %shift_right_logical3A_350 {strides = array<i32>} : memref<128xi32, #tpu.memory_space<vmem>>, vector<16xi32>,
        %add3A_353 = arith.constant 96 : i32
        %add3A_354 = arith.addi %mul3A_199, %add3A_353 : i32
        %get3A_355 = arith.index_cast %add3A_354 : i32 to index
        %get3A_356 = tpu.vector_load %arg11[%get3A_355] {strides = array<i32>} : memref<20160xi32, #tpu.memory_space<vmem>>, vector<16xi32>,
        %shift_right_arithmetic3A_357 = arith.constant 14 : i32
        %shift_right_arithmetic3A_358 = vector.broadcast %shift_right_arithmetic3A_357 : i32 to vector<16xi32>
        %shift_right_arithmetic3A_359 = arith.shrsi %get3A_356, %shift_right_arithmetic3A_358 : vector<16xi32>
        %and3A_360 = arith.constant 15 : i32
        %and3A_361 = vector.broadcast %and3A_360 : i32 to vector<16xi32>
        %and3A_362 = arith.andi %shift_right_arithmetic3A_359, %and3A_361 : vector<16xi32>
        %and3A_363 = arith.constant 16383 : i32
        %and3A_364 = vector.broadcast %and3A_363 : i32 to vector<16xi32>
        %and3A_365 = arith.andi %get3A_356, %and3A_364 : vector<16xi32>
        %sub3A_366 = vector.broadcast %mul3A_55 : i32 to vector<16xi32>
        %sub3A_367 = arith.subi %and3A_365, %sub3A_366 : vector<16xi32>
        %mul3A_368 = arith.constant 400 : i32
        %mul3A_369 = vector.broadcast %mul3A_368 : i32 to vector<16xi32>
        %mul3A_370 = arith.muli %and3A_362, %mul3A_369 : vector<16xi32>
        %add3A_371 = arith.addi %sub3A_367, %mul3A_370 : vector<16xi32>
        %swap3A_372 = arith.constant 96 : index
        %swap3A_373 = tpu.vector_load %arg12[%swap3A_372] {strides = array<i32>} : memref<128xi32, #tpu.memory_space<vmem>>, vector<16xi32>,
        tpu.vector_store %arg12[%swap3A_372], %add3A_371 {strides = array<i32>} : memref<128xi32, #tpu.memory_space<vmem>>, vector<16xi32>,
        %shift_right_logical3A_374 = arith.constant 18 : i32
        %shift_right_logical3A_375 = vector.broadcast %shift_right_logical3A_374 : i32 to vector<16xi32>
        %shift_right_logical3A_376 = arith.shrui %get3A_356, %shift_right_logical3A_375 : vector<16xi32>
        %swap3A_377 = arith.constant 96 : index
        %swap3A_378 = tpu.vector_load %arg13[%swap3A_377] {strides = array<i32>} : memref<128xi32, #tpu.memory_space<vmem>>, vector<16xi32>,
        tpu.vector_store %arg13[%swap3A_377], %shift_right_logical3A_376 {strides = array<i32>} : memref<128xi32, #tpu.memory_space<vmem>>, vector<16xi32>,
        %add3A_379 = arith.constant 112 : i32
        %add3A_380 = arith.addi %mul3A_199, %add3A_379 : i32
        %get3A_381 = arith.index_cast %add3A_380 : i32 to index
        %get3A_382 = tpu.vector_load %arg11[%get3A_381] {strides = array<i32>} : memref<20160xi32, #tpu.memory_space<vmem>>, vector<16xi32>,
        %shift_right_arithmetic3A_383 = arith.constant 14 : i32
        %shift_right_arithmetic3A_384 = vector.broadcast %shift_right_arithmetic3A_383 : i32 to vector<16xi32>
        %shift_right_arithmetic3A_385 = arith.shrsi %get3A_382, %shift_right_arithmetic3A_384 : vector<16xi32>
        %and3A_386 = arith.constant 15 : i32
        %and3A_387 = vector.broadcast %and3A_386 : i32 to vector<16xi32>
        %and3A_388 = arith.andi %shift_right_arithmetic3A_385, %and3A_387 : vector<16xi32>
        %and3A_389 = arith.constant 16383 : i32
        %and3A_390 = vector.broadcast %and3A_389 : i32 to vector<16xi32>
        %and3A_391 = arith.andi %get3A_382, %and3A_390 : vector<16xi32>
        %sub3A_392 = vector.broadcast %mul3A_55 : i32 to vector<16xi32>
        %sub3A_393 = arith.subi %and3A_391, %sub3A_392 : vector<16xi32>
        %mul3A_394 = arith.constant 400 : i32
        %mul3A_395 = vector.broadcast %mul3A_394 : i32 to vector<16xi32>
        %mul3A_396 = arith.muli %and3A_388, %mul3A_395 : vector<16xi32>
        %add3A_397 = arith.addi %sub3A_393, %mul3A_396 : vector<16xi32>
        %swap3A_398 = arith.constant 112 : index
        %swap3A_399 = tpu.vector_load %arg12[%swap3A_398] {strides = array<i32>} : memref<128xi32, #tpu.memory_space<vmem>>, vector<16xi32>,
        tpu.vector_store %arg12[%swap3A_398], %add3A_397 {strides = array<i32>} : memref<128xi32, #tpu.memory_space<vmem>>, vector<16xi32>,
        %shift_right_logical3A_400 = arith.constant 18 : i32
        %shift_right_logical3A_401 = vector.broadcast %shift_right_logical3A_400 : i32 to vector<16xi32>
        %shift_right_logical3A_402 = arith.shrui %get3A_382, %shift_right_logical3A_401 : vector<16xi32>
        %swap3A_403 = arith.constant 112 : index
        %swap3A_404 = tpu.vector_load %arg13[%swap3A_403] {strides = array<i32>} : memref<128xi32, #tpu.memory_space<vmem>>, vector<16xi32>,
        tpu.vector_store %arg13[%swap3A_403], %shift_right_logical3A_402 {strides = array<i32>} : memref<128xi32, #tpu.memory_space<vmem>>, vector<16xi32>,
        %dma_start3A = arith.constant 0 : i32
        %dma_start3A_405 = arith.constant 0 : i32
        %dma_start3A_406 = tpu.memref_slice %arg18[%dma_start3A, %dma_start3A_405] : memref<10000x64xf32, #tpu.memory_space<vmem_shared>> -> memref<10000x64xf32, #tpu.memory_space<vmem_shared>>
        tpu.enqueue_indirect_dma source(%dma_start3A_406 : memref<10000x64xf32, #tpu.memory_space<vmem_shared>>) target(%arg14 : memref<128x64xf32, #tpu.memory_space<vmem>>) offsets(%arg13 : memref<128xi32, #tpu.memory_space<vmem>>) semaphore(%arg21 : memref<!tpu.dma_semaphore, #tpu.memory_space<semaphore_mem>>)
        %dma_wait3A = arith.constant 0 : i32
        %dma_wait3A_407 = arith.constant 0 : i32
        %dma_wait3A_408 = tpu.memref_slice %arg18[%dma_wait3A, %dma_wait3A_407] : memref<10000x64xf32, #tpu.memory_space<vmem_shared>> -> memref<10000x64xf32, #tpu.memory_space<vmem_shared>>
        tpu.wait_indirect_dma semaphore(%arg21 : memref<!tpu.dma_semaphore, #tpu.memory_space<semaphore_mem>>) src(%dma_wait3A_408 : memref<10000x64xf32, #tpu.memory_space<vmem_shared>>) dst(%arg14 : memref<128x64xf32, #tpu.memory_space<vmem>>)
        "tpu.region"() ({
          %run_scoped3A = tpu.sem_alloc : memref<!tpu.dma_semaphore, #tpu.memory_space<semaphore_mem>>
          %dma_start3A_413 = arith.constant 0 : i32
          %dma_start3A_414 = arith.constant 0 : i32
          %dma_start3A_415 = tpu.memref_slice %arg19[%dma_start3A_413, %dma_start3A_414] : memref<6528x64xf32, #tpu.memory_space<vmem_shared>> -> memref<6528x64xf32, #tpu.memory_space<vmem_shared>>
          tpu.enqueue_indirect_dma source(%arg14 : memref<128x64xf32, #tpu.memory_space<vmem>>) target(%dma_start3A_415 : memref<6528x64xf32, #tpu.memory_space<vmem_shared>>) offsets(%arg12 : memref<128xi32, #tpu.memory_space<vmem>>) semaphore(%run_scoped3A : memref<!tpu.dma_semaphore, #tpu.memory_space<semaphore_mem>>) {add = true}
          %dma_wait3A_416 = arith.constant 0 : i32
          %dma_wait3A_417 = arith.constant 0 : i32
          %dma_wait3A_418 = tpu.memref_slice %arg19[%dma_wait3A_416, %dma_wait3A_417] : memref<6528x64xf32, #tpu.memory_space<vmem_shared>> -> memref<6528x64xf32, #tpu.memory_space<vmem_shared>>
          tpu.wait_indirect_dma semaphore(%run_scoped3A : memref<!tpu.dma_semaphore, #tpu.memory_space<semaphore_mem>>) src(%arg14 : memref<128x64xf32, #tpu.memory_space<vmem>>) dst(%dma_wait3A_418 : memref<6528x64xf32, #tpu.memory_space<vmem_shared>>)
          tpu.yield
        }) : () -> ()
        %convert_element_type3A_409 = arith.extui %eq3A_65 : i1 to i32
        %cond3A_410 = arith.constant 0 : i32
        %cond3A_411 = arith.cmpi ne, %convert_element_type3A_409, %cond3A_410 : i32
        scf.if %cond3A_411 {
          "tpu.region"() ({
            %run_scoped3A = tpu.sem_alloc : memref<!tpu.dma_semaphore, #tpu.memory_space<semaphore_mem>>
            %dma_start3A_413 = arith.constant 0 : i32
            %dma_start3A_414 = arith.constant 0 : i32
            %dma_start3A_415 = tpu.memref_slice %arg20[%dma_start3A_413, %dma_start3A_414] : memref<6528x16xf32, #tpu.memory_space<vmem_shared>> -> memref<6528x16xf32, #tpu.memory_space<vmem_shared>>
            tpu.enqueue_indirect_dma source(%arg17 : memref<128x16xf32, #tpu.memory_space<vmem>>) target(%dma_start3A_415 : memref<6528x16xf32, #tpu.memory_space<vmem_shared>>) offsets(%arg12 : memref<128xi32, #tpu.memory_space<vmem>>) semaphore(%run_scoped3A : memref<!tpu.dma_semaphore, #tpu.memory_space<semaphore_mem>>) {add = true}
            %dma_wait3A_416 = arith.constant 0 : i32
            %dma_wait3A_417 = arith.constant 0 : i32
            %dma_wait3A_418 = tpu.memref_slice %arg20[%dma_wait3A_416, %dma_wait3A_417] : memref<6528x16xf32, #tpu.memory_space<vmem_shared>> -> memref<6528x16xf32, #tpu.memory_space<vmem_shared>>
            tpu.wait_indirect_dma semaphore(%run_scoped3A : memref<!tpu.dma_semaphore, #tpu.memory_space<semaphore_mem>>) src(%arg17 : memref<128x16xf32, #tpu.memory_space<vmem>>) dst(%dma_wait3A_418 : memref<6528x16xf32, #tpu.memory_space<vmem_shared>>)
            tpu.yield
          }) : () -> ()
        } else {
        }
        %while3A_412 = arith.constant 0 : i32
        scf.yield %while3A_412 : i32
      }
      %barrier3A_178 = arith.constant 0 : index
      tpu.barrier barrier_id(%barrier3A_178)
      %mul3A_179 = arith.constant 400 : i32
      %mul3A_180 = arith.muli %arg1, %mul3A_179 : i32
      %eq3A_181 = arith.constant 0 : i32
      %eq3A_182 = arith.cmpi eq, %arg0, %eq3A_181 : i32
      %convert_element_type3A_183 = arith.extui %eq3A_182 : i1 to i32
      %cond3A_184 = arith.constant 0 : i32
      %cond3A_185 = arith.cmpi ne, %convert_element_type3A_183, %cond3A_184 : i32
      scf.if %cond3A_185 {
        %mul3A_196 = arith.constant 10000 : i32
        %mul3A_197 = arith.muli %arg1, %mul3A_196 : i32
        %mul3A_198 = arith.constant 400 : i32
        %mul3A_199 = arith.muli %scan3A_52, %mul3A_198 : i32
        %add3A_200 = arith.addi %mul3A_197, %mul3A_199 : i32
        "tpu.region"() ({
          %run_scoped3A = tpu.sem_alloc : memref<!tpu.dma_semaphore, #tpu.memory_space<semaphore_mem>>
          %dma_start3A = arith.constant 0 : i32
          %dma_start3A_201 = tpu.memref_slice %arg7[%add3A_200, %dma_start3A] : memref<160000x64xf32, #tpu.memory_space<hbm>> -> memref<400x64xf32, #tpu.memory_space<hbm>>
          %dma_start3A_202 = arith.constant 0 : i32
          %dma_start3A_203 = tpu.memref_slice %arg19[%mul3A_180, %dma_start3A_202] : memref<6528x64xf32, #tpu.memory_space<vmem_shared>> -> memref<400x64xf32, #tpu.memory_space<vmem_shared>>
          tpu.enqueue_dma source(%dma_start3A_203 : memref<400x64xf32, #tpu.memory_space<vmem_shared>>) target(%dma_start3A_201 : memref<400x64xf32, #tpu.memory_space<hbm>>) target_semaphore(%run_scoped3A : memref<!tpu.dma_semaphore, #tpu.memory_space<semaphore_mem>>)
          %dma_wait3A = arith.constant 0 : i32
          %dma_wait3A_204 = tpu.memref_slice %arg7[%add3A_200, %dma_wait3A] : memref<160000x64xf32, #tpu.memory_space<hbm>> -> memref<400x64xf32, #tpu.memory_space<hbm>>
          %dma_wait3A_205 = arith.constant 0 : i32
          %dma_wait3A_206 = tpu.memref_slice %arg19[%mul3A_180, %dma_wait3A_205] : memref<6528x64xf32, #tpu.memory_space<vmem_shared>> -> memref<400x64xf32, #tpu.memory_space<vmem_shared>>
          tpu.wait_dma2 semaphore(%run_scoped3A : memref<!tpu.dma_semaphore, #tpu.memory_space<semaphore_mem>>) src(%dma_wait3A_206 : memref<400x64xf32, #tpu.memory_space<vmem_shared>>) dst(%dma_wait3A_204 : memref<400x64xf32, #tpu.memory_space<hbm>>)
          tpu.yield
        }) : () -> ()
      } else {
      }
      %eq3A_186 = arith.constant 1 : i32
      %eq3A_187 = arith.cmpi eq, %arg0, %eq3A_186 : i32
      %convert_element_type3A_188 = arith.extui %eq3A_187 : i1 to i32
      %cond3A_189 = arith.constant 0 : i32
      %cond3A_190 = arith.cmpi ne, %convert_element_type3A_188, %cond3A_189 : i32
      scf.if %cond3A_190 {
        %mul3A_196 = arith.constant 10000 : i32
        %mul3A_197 = arith.muli %arg1, %mul3A_196 : i32
        %mul3A_198 = arith.constant 400 : i32
        %mul3A_199 = arith.muli %scan3A_52, %mul3A_198 : i32
        %add3A_200 = arith.addi %mul3A_197, %mul3A_199 : i32
        "tpu.region"() ({
          %run_scoped3A = tpu.sem_alloc : memref<!tpu.dma_semaphore, #tpu.memory_space<semaphore_mem>>
          %dma_start3A = arith.constant 0 : i32
          %dma_start3A_201 = tpu.memref_slice %arg8[%add3A_200, %dma_start3A] : memref<160000x64xf32, #tpu.memory_space<hbm>> -> memref<400x64xf32, #tpu.memory_space<hbm>>
          %dma_start3A_202 = arith.constant 0 : i32
          %dma_start3A_203 = tpu.memref_slice %arg19[%mul3A_180, %dma_start3A_202] : memref<6528x64xf32, #tpu.memory_space<vmem_shared>> -> memref<400x64xf32, #tpu.memory_space<vmem_shared>>
          tpu.enqueue_dma source(%dma_start3A_203 : memref<400x64xf32, #tpu.memory_space<vmem_shared>>) target(%dma_start3A_201 : memref<400x64xf32, #tpu.memory_space<hbm>>) target_semaphore(%run_scoped3A : memref<!tpu.dma_semaphore, #tpu.memory_space<semaphore_mem>>)
          %dma_wait3A = arith.constant 0 : i32
          %dma_wait3A_204 = tpu.memref_slice %arg8[%add3A_200, %dma_wait3A] : memref<160000x64xf32, #tpu.memory_space<hbm>> -> memref<400x64xf32, #tpu.memory_space<hbm>>
          %dma_wait3A_205 = arith.constant 0 : i32
          %dma_wait3A_206 = tpu.memref_slice %arg19[%mul3A_180, %dma_wait3A_205] : memref<6528x64xf32, #tpu.memory_space<vmem_shared>> -> memref<400x64xf32, #tpu.memory_space<vmem_shared>>
          tpu.wait_dma2 semaphore(%run_scoped3A : memref<!tpu.dma_semaphore, #tpu.memory_space<semaphore_mem>>) src(%dma_wait3A_206 : memref<400x64xf32, #tpu.memory_space<vmem_shared>>) dst(%dma_wait3A_204 : memref<400x64xf32, #tpu.memory_space<hbm>>)
          tpu.yield
        }) : () -> ()
      } else {
      }
      %convert_element_type3A_191 = arith.extui %eq3A_65 : i1 to i32
      %cond3A_192 = arith.constant 0 : i32
      %cond3A_193 = arith.cmpi ne, %convert_element_type3A_191, %cond3A_192 : i32
      scf.if %cond3A_193 {
        %mul3A_196 = arith.constant 10000 : i32
        %mul3A_197 = arith.muli %arg1, %mul3A_196 : i32
        %mul3A_198 = arith.constant 400 : i32
        %mul3A_199 = arith.muli %scan3A_52, %mul3A_198 : i32
        %add3A_200 = arith.addi %mul3A_197, %mul3A_199 : i32
        "tpu.region"() ({
          %run_scoped3A = tpu.sem_alloc : memref<!tpu.dma_semaphore, #tpu.memory_space<semaphore_mem>>
          %dma_start3A = arith.constant 0 : i32
          %dma_start3A_201 = tpu.memref_slice %arg9[%add3A_200, %dma_start3A] : memref<160000x16xf32, #tpu.memory_space<hbm>> -> memref<400x16xf32, #tpu.memory_space<hbm>>
          %dma_start3A_202 = arith.constant 0 : i32
          %dma_start3A_203 = tpu.memref_slice %arg20[%mul3A_180, %dma_start3A_202] : memref<6528x16xf32, #tpu.memory_space<vmem_shared>> -> memref<400x16xf32, #tpu.memory_space<vmem_shared>>
          tpu.enqueue_dma source(%dma_start3A_203 : memref<400x16xf32, #tpu.memory_space<vmem_shared>>) target(%dma_start3A_201 : memref<400x16xf32, #tpu.memory_space<hbm>>) target_semaphore(%run_scoped3A : memref<!tpu.dma_semaphore, #tpu.memory_space<semaphore_mem>>)
          %dma_wait3A = arith.constant 0 : i32
          %dma_wait3A_204 = tpu.memref_slice %arg9[%add3A_200, %dma_wait3A] : memref<160000x16xf32, #tpu.memory_space<hbm>> -> memref<400x16xf32, #tpu.memory_space<hbm>>
          %dma_wait3A_205 = arith.constant 0 : i32
          %dma_wait3A_206 = tpu.memref_slice %arg20[%mul3A_180, %dma_wait3A_205] : memref<6528x16xf32, #tpu.memory_space<vmem_shared>> -> memref<400x16xf32, #tpu.memory_space<vmem_shared>>
          tpu.wait_dma2 semaphore(%run_scoped3A : memref<!tpu.dma_semaphore, #tpu.memory_space<semaphore_mem>>) src(%dma_wait3A_206 : memref<400x16xf32, #tpu.memory_space<vmem_shared>>) dst(%dma_wait3A_204 : memref<400x16xf32, #tpu.memory_space<hbm>>)
          tpu.yield
        }) : () -> ()
      } else {
      }
      %barrier3A_194 = arith.constant 0 : index
      tpu.barrier barrier_id(%barrier3A_194)
      %scan3A_195 = arith.constant 0 : i32
      scf.yield %scan3A_195 : i32
    }
    %scan3A_51 = arith.constant 25 : i32
    return
  }
}

module attributes {stable_mosaic.version = 14 : i64} {
  func.func @_tc_body(%arg0: i32, %arg1: i32, %arg2: memref<1x400x64xf32, #tpu.memory_space<vmem>>, %arg3: memref<1x400x64xf32, #tpu.memory_space<vmem>>, %arg4: memref<1x400x16xf32, #tpu.memory_space<vmem>>, %arg5: memref<400x128xf32, #tpu.memory_space<vmem>>, %arg6: memref<4x128x128xf32, #tpu.memory_space<vmem>>, %arg7: memref<16x4xf32, #tpu.memory_space<vmem>>, %arg8: memref<128x128xf32, #tpu.memory_space<vmem>>, %arg9: memref<400x128xf32, #tpu.memory_space<vmem>>) attributes {dimension_semantics = [#tpu.dimension_semantics<arbitrary>, #tpu.dimension_semantics<arbitrary>], iteration_bounds = array<i64: 25, 16>, scalar_prefetch = 0 : i64, scratch_operands = 0 : i64, tpu.core_type = #tpu.core_type<tc>, window_params = [{transform_indices = @transform_0, window_bounds = array<i64: 1, 400, 64>}, {transform_indices = @transform_1, window_bounds = array<i64: 1, 400, 64>}, {transform_indices = @transform_2, window_bounds = array<i64: 1, 400, 16>}, {transform_indices = @transform_3, window_bounds = array<i64: 400, 128>}, {pipeline_mode = #tpu.pipeline_mode<synchronous>, transform_indices = @transform_4, window_bounds = array<i64: 4, 128, 128>}, {pipeline_mode = #tpu.pipeline_mode<synchronous>, transform_indices = @transform_5, window_bounds = array<i64: 16, 4>}, {pipeline_mode = #tpu.pipeline_mode<synchronous>, transform_indices = @transform_6, window_bounds = array<i64: 128, 128>}, {transform_indices = @transform_7, window_bounds = array<i64: 400, 128>}]} {
    %get3A = arith.constant 0 : index
    %get3A_0 = arith.constant 0 : index
    %get3A_1 = arith.constant 0 : index
    %get3A_2 = vector.load %arg4[%get3A, %get3A_0, %get3A_1] : memref<1x400x16xf32, #tpu.memory_space<vmem>>, vector<1x400x16xf32>
    %get3A_3 = vector.shape_cast %get3A_2 : vector<1x400x16xf32> to vector<400x16xf32>
    %slice3A = vector.extract_strided_slice %get3A_3 {offsets = [0, 0], sizes = [400, 1], strides = [1, 1]} : vector<400x16xf32> to vector<400x1xf32>
    %max3A = arith.constant 1.000000e+00 : f32
    %max3A_4 = vector.broadcast %max3A : f32 to vector<400x1xf32>
    %max3A_5 = arith.maximumf %slice3A, %max3A_4 : vector<400x1xf32>
    %div3A = arith.constant 1.000000e+00 : f32
    %div3A_6 = vector.broadcast %div3A : f32 to vector<400x1xf32>
    %div3A_7 = arith.divf %div3A_6, %max3A_5 : vector<400x1xf32>
    %get3A_8 = arith.constant 0 : index
    %get3A_9 = arith.constant 0 : index
    %get3A_10 = arith.constant 0 : index
    %get3A_11 = vector.load %arg2[%get3A_8, %get3A_9, %get3A_10] : memref<1x400x64xf32, #tpu.memory_space<vmem>>, vector<1x400x64xf32>
    %get3A_12 = vector.shape_cast %get3A_11 : vector<1x400x64xf32> to vector<400x64xf32>
    %mul3A = vector.broadcast %div3A_7 : vector<400x1xf32> to vector<400x64xf32>
    %mul3A_13 = arith.mulf %get3A_12, %mul3A : vector<400x64xf32>
    %get3A_14 = arith.constant 0 : index
    %get3A_15 = arith.constant 0 : index
    %get3A_16 = arith.constant 0 : index
    %get3A_17 = vector.load %arg3[%get3A_14, %get3A_15, %get3A_16] : memref<1x400x64xf32, #tpu.memory_space<vmem>>, vector<1x400x64xf32>
    %get3A_18 = vector.shape_cast %get3A_17 : vector<1x400x64xf32> to vector<400x64xf32>
    %mul3A_19 = vector.broadcast %div3A_7 : vector<400x1xf32> to vector<400x64xf32>
    %mul3A_20 = arith.mulf %get3A_18, %mul3A_19 : vector<400x64xf32>
    %get3A_21 = arith.index_cast %arg1 : i32 to index
    %get3A_22 = arith.constant 0 : index
    %get3A_23 = vector.load %arg7[%get3A_21, %get3A_22] : memref<16x4xf32, #tpu.memory_space<vmem>>, vector<1x4xf32>
    %slice3A_24 = vector.extract_strided_slice %get3A_23 {offsets = [0, 0], sizes = [1, 1], strides = [1, 1]} : vector<1x4xf32> to vector<1x1xf32>
    %squeeze3A = vector.extract %slice3A_24[0, 0] : f32 from vector<1x1xf32>
    %get3A_25 = arith.constant 0 : index
    %get3A_26 = arith.constant 0 : index
    %get3A_27 = arith.constant 0 : index
    %get3A_28 = vector.load %arg6[%get3A_25, %get3A_26, %get3A_27] : memref<4x128x128xf32, #tpu.memory_space<vmem>>, vector<1x128x128xf32>
    %get3A_29 = vector.shape_cast %get3A_28 : vector<1x128x128xf32> to vector<128x128xf32>
    %mul3A_30 = vector.broadcast %squeeze3A : f32 to vector<128x128xf32>
    %mul3A_31 = arith.mulf %mul3A_30, %get3A_29 : vector<128x128xf32>
    %slice3A_32 = vector.extract_strided_slice %get3A_23 {offsets = [0, 1], sizes = [1, 1], strides = [1, 1]} : vector<1x4xf32> to vector<1x1xf32>
    %squeeze3A_33 = vector.extract %slice3A_32[0, 0] : f32 from vector<1x1xf32>
    %get3A_34 = arith.constant 1 : index
    %get3A_35 = arith.constant 0 : index
    %get3A_36 = arith.constant 0 : index
    %get3A_37 = vector.load %arg6[%get3A_34, %get3A_35, %get3A_36] : memref<4x128x128xf32, #tpu.memory_space<vmem>>, vector<1x128x128xf32>
    %get3A_38 = vector.shape_cast %get3A_37 : vector<1x128x128xf32> to vector<128x128xf32>
    %mul3A_39 = vector.broadcast %squeeze3A_33 : f32 to vector<128x128xf32>
    %mul3A_40 = arith.mulf %mul3A_39, %get3A_38 : vector<128x128xf32>
    %add3A = arith.addf %mul3A_31, %mul3A_40 : vector<128x128xf32>
    %slice3A_41 = vector.extract_strided_slice %get3A_23 {offsets = [0, 2], sizes = [1, 1], strides = [1, 1]} : vector<1x4xf32> to vector<1x1xf32>
    %squeeze3A_42 = vector.extract %slice3A_41[0, 0] : f32 from vector<1x1xf32>
    %get3A_43 = arith.constant 2 : index
    %get3A_44 = arith.constant 0 : index
    %get3A_45 = arith.constant 0 : index
    %get3A_46 = vector.load %arg6[%get3A_43, %get3A_44, %get3A_45] : memref<4x128x128xf32, #tpu.memory_space<vmem>>, vector<1x128x128xf32>
    %get3A_47 = vector.shape_cast %get3A_46 : vector<1x128x128xf32> to vector<128x128xf32>
    %mul3A_48 = vector.broadcast %squeeze3A_42 : f32 to vector<128x128xf32>
    %mul3A_49 = arith.mulf %mul3A_48, %get3A_47 : vector<128x128xf32>
    %add3A_50 = arith.addf %add3A, %mul3A_49 : vector<128x128xf32>
    %slice3A_51 = vector.extract_strided_slice %get3A_23 {offsets = [0, 3], sizes = [1, 1], strides = [1, 1]} : vector<1x4xf32> to vector<1x1xf32>
    %squeeze3A_52 = vector.extract %slice3A_51[0, 0] : f32 from vector<1x1xf32>
    %get3A_53 = arith.constant 3 : index
    %get3A_54 = arith.constant 0 : index
    %get3A_55 = arith.constant 0 : index
    %get3A_56 = vector.load %arg6[%get3A_53, %get3A_54, %get3A_55] : memref<4x128x128xf32, #tpu.memory_space<vmem>>, vector<1x128x128xf32>
    %get3A_57 = vector.shape_cast %get3A_56 : vector<1x128x128xf32> to vector<128x128xf32>
    %mul3A_58 = vector.broadcast %squeeze3A_52 : f32 to vector<128x128xf32>
    %mul3A_59 = arith.mulf %mul3A_58, %get3A_57 : vector<128x128xf32>
    %add3A_60 = arith.addf %add3A_50, %mul3A_59 : vector<128x128xf32>
    %slice3A_61 = vector.extract_strided_slice %add3A_60 {offsets = [0, 0], sizes = [64, 128], strides = [1, 1]} : vector<128x128xf32> to vector<64x128xf32>
    %dot_general3A = arith.constant dense<0.000000e+00> : vector<400x128xf32>
    %dot_general3A_62 = tpu.matmul %mul3A_13, %slice3A_61, %dot_general3A {dimension_numbers = #tpu.dot_dimension_numbers<[1], [0], [0], [1], [0, 0, 1, 1], [], []>, transpose_lhs_hint = false} : vector<400x64xf32>, vector<64x128xf32>, vector<400x128xf32> -> vector<400x128xf32>
    %slice3A_63 = vector.extract_strided_slice %add3A_60 {offsets = [64, 0], sizes = [64, 128], strides = [1, 1]} : vector<128x128xf32> to vector<64x128xf32>
    %dot_general3A_64 = arith.constant dense<0.000000e+00> : vector<400x128xf32>
    %dot_general3A_65 = tpu.matmul %mul3A_20, %slice3A_63, %dot_general3A_64 {dimension_numbers = #tpu.dot_dimension_numbers<[1], [0], [0], [1], [0, 0, 1, 1], [], []>, transpose_lhs_hint = false} : vector<400x64xf32>, vector<64x128xf32>, vector<400x128xf32> -> vector<400x128xf32>
    %add3A_66 = arith.addf %dot_general3A_62, %dot_general3A_65 : vector<400x128xf32>
    %eq3A = arith.constant 0 : i32
    %eq3A_67 = arith.cmpi eq, %arg1, %eq3A : i32
    %convert_element_type3A = arith.extui %eq3A_67 : i1 to i32
    %cond3A = arith.constant 0 : i32
    %cond3A_68 = arith.cmpi ne, %convert_element_type3A, %cond3A : i32
    scf.if %cond3A_68 {
      %get3A_73 = arith.constant 0 : index
      %get3A_74 = arith.constant 0 : index
      %get3A_75 = vector.load %arg5[%get3A_73, %get3A_74] : memref<400x128xf32, #tpu.memory_space<vmem>>, vector<400x128xf32>
      %get3A_76 = arith.constant 0 : index
      %get3A_77 = arith.constant 0 : index
      %get3A_78 = vector.load %arg8[%get3A_76, %get3A_77] : memref<128x128xf32, #tpu.memory_space<vmem>>, vector<128x128xf32>
      %dot_general3A_79 = arith.constant dense<0.000000e+00> : vector<400x128xf32>
      %dot_general3A_80 = tpu.matmul %get3A_75, %get3A_78, %dot_general3A_79 {dimension_numbers = #tpu.dot_dimension_numbers<[1], [0], [0], [1], [0, 0, 1, 1], [], []>, transpose_lhs_hint = false} : vector<400x128xf32>, vector<128x128xf32>, vector<400x128xf32> -> vector<400x128xf32>
      %add3A_81 = arith.addf %add3A_66, %dot_general3A_80 : vector<400x128xf32>
      %swap3A = arith.constant 0 : index
      %swap3A_82 = arith.constant 0 : index
      %swap3A_83 = vector.load %arg9[%swap3A, %swap3A_82] : memref<400x128xf32, #tpu.memory_space<vmem>>, vector<400x128xf32>
      tpu.vector_store %arg9[%swap3A, %swap3A_82], %add3A_81 {strides = array<i32>} : memref<400x128xf32, #tpu.memory_space<vmem>>, vector<400x128xf32>,
    } else {
    }
    %ne3A = arith.constant 0 : i32
    %ne3A_69 = arith.cmpi ne, %arg1, %ne3A : i32
    %convert_element_type3A_70 = arith.extui %ne3A_69 : i1 to i32
    %cond3A_71 = arith.constant 0 : i32
    %cond3A_72 = arith.cmpi ne, %convert_element_type3A_70, %cond3A_71 : i32
    scf.if %cond3A_72 {
      %get3A_73 = arith.constant 0 : index
      %get3A_74 = arith.constant 0 : index
      %get3A_75 = vector.load %arg9[%get3A_73, %get3A_74] : memref<400x128xf32, #tpu.memory_space<vmem>>, vector<400x128xf32>
      %add3A_76 = arith.addf %get3A_75, %add3A_66 : vector<400x128xf32>
      %swap3A = arith.constant 0 : index
      %swap3A_77 = arith.constant 0 : index
      %swap3A_78 = vector.load %arg9[%swap3A, %swap3A_77] : memref<400x128xf32, #tpu.memory_space<vmem>>, vector<400x128xf32>
      tpu.vector_store %arg9[%swap3A, %swap3A_77], %add3A_76 {strides = array<i32>} : memref<400x128xf32, #tpu.memory_space<vmem>>, vector<400x128xf32>,
    } else {
    }
    return
  }
  func.func @transform_0(%arg0: i32, %arg1: i32) -> (i32, i32, i32) {
    %c0_i32 = arith.constant 0 : i32
    %c0_i32_0 = arith.constant 0 : i32
    return %arg1, %arg0, %c0_i32 : i32, i32, i32
  }
  func.func @transform_1(%arg0: i32, %arg1: i32) -> (i32, i32, i32) {
    %c0_i32 = arith.constant 0 : i32
    %c0_i32_0 = arith.constant 0 : i32
    return %arg1, %arg0, %c0_i32 : i32, i32, i32
  }
  func.func @transform_2(%arg0: i32, %arg1: i32) -> (i32, i32, i32) {
    %c0_i32 = arith.constant 0 : i32
    %c0_i32_0 = arith.constant 0 : i32
    return %arg1, %arg0, %c0_i32 : i32, i32, i32
  }
  func.func @transform_3(%arg0: i32, %arg1: i32) -> (i32, i32) {
    %c0_i32 = arith.constant 0 : i32
    %c0_i32_0 = arith.constant 0 : i32
    return %arg0, %c0_i32 : i32, i32
  }
  func.func @transform_4(%arg0: i32, %arg1: i32) -> (i32, i32, i32) {
    %c0_i32 = arith.constant 0 : i32
    %c0_i32_0 = arith.constant 0 : i32
    %c0_i32_1 = arith.constant 0 : i32
    %c0_i32_2 = arith.constant 0 : i32
    return %c0_i32, %c0_i32_0, %c0_i32_1 : i32, i32, i32
  }
  func.func @transform_5(%arg0: i32, %arg1: i32) -> (i32, i32) {
    %c0_i32 = arith.constant 0 : i32
    %c0_i32_0 = arith.constant 0 : i32
    %c0_i32_1 = arith.constant 0 : i32
    return %c0_i32, %c0_i32_0 : i32, i32
  }
  func.func @transform_6(%arg0: i32, %arg1: i32) -> (i32, i32) {
    %c0_i32 = arith.constant 0 : i32
    %c0_i32_0 = arith.constant 0 : i32
    %c0_i32_1 = arith.constant 0 : i32
    return %c0_i32, %c0_i32_0 : i32, i32
  }
  func.func @transform_7(%arg0: i32, %arg1: i32) -> (i32, i32) {
    %c0_i32 = arith.constant 0 : i32
    %c0_i32_0 = arith.constant 0 : i32
    return %arg0, %c0_i32 : i32, i32
  }
}

</mosaic_0001>

<sc_bundles>
// kernel: kernel.4.cloned.1.call-start
scs
__scs_entry_jumppad:
0x0: {  	(pc) =	sbr.rel $0x88, $3  }
0x1: {  	(tag) =	ssettag $0x0;
	lr =	simm.s32 $0x1  }
0x2: {  	[smem:$0x3F9B] =	sst lr;
	_ =	strace $0xD0000000  }
0x3: {  	_ = 	snop  }
0x4: {  	_ = 	snop  }
0x5: {  	_ = 	snop  }
0x6: {  	_ = 	snop  }
0x7: {  	_ = 	snop  }
__scs_overlays_trampoline_lowered:
0x8: {  	[smem:$0x3FAA] =	sst s0  }
0x9: {  	[smem:$0x3FAB] =	sst s1  }
0xa: {  	[smem:$0x3FAC] =	sst s2  }
0xb: {  	[smem:$0x3FAD] =	sst s3  }
0xc: {  	[smem:$0x3FAE] =	sst s4  }
0xd: {  	[smem:$0x3FAF] =	sst s5  }
0xe: {  	[smem:$0x3FB0] =	sst s6  }
0xf: {  	[smem:$0x3FB1] =	sst s7  }
0x10: {  	[smem:$0x3FB2] =	sst s8  }
0x11: {  	[smem:$0x3FB3] =	sst s9;
	s0 =	simm.s32 @!p0 $0x0  }
0x12: {  	s1 =	sld [smem:$0x3F99];
	s0 =	simm.s32 @p0 $0x1  }
0x13: {  	[smem:$0x3FB4] =	sst s0;
	s0 =	simm.s32 @!p1 $0x0  }
0x14: {  	s2 =	sld [smem:$0x3F98];
	s0 =	simm.s32 @p1 $0x1  }
0x15: {  	[smem:$0x3FB5] =	sst s0;
	s0 =	simm.s32 @!p2 $0x0  }
0x16: {  	s3 =	sld [smem:$0x3FDB];
	s0 =	simm.s32 @p2 $0x1  }
0x17: {  	s4 =	simm.s32 $0x1BF5;
	[smem:$0x3FB7] =	sst s0  }
0x18: {  	s0 =	sld [smem:$0x3F9A];
	_ =	swait.ge [sflag:s4], $0x0  }
0x19: {  	s7 =	sld [smem:$0x3F9B]  }
0x1a: {  	s8 =	sadd.s32 $0xFFFFE003, lr  }
0x1b: {  	s9 =	sadd.s32 $0xFFFFFEF7, lr;
	s5 =	simm.s32 $0xFFFFFFFF;
	p2 =	slt.u32 s8, $0xFFFFF086  }
0x1c: {  	p1 =	slt.u32 s9, $0xF7A;
	s5 =	simm.s32 @!p2 $0x0  }
0x1d: {  	s5 =	simm.s32 @p1 $0x1;
	p0 =	seq.s32 s7, s2  }
0x1e: {  	s7 =	smul.u32 @!p0 $0xF7A, s2;
	p2 =	seq.s32 @!p0 s5, $0x0  }
0x1f: {  	s9 =	smul.u32 $0xF7A, s1;
	s8 =	simm.s32 @!p0 $0x1BF5;
	p2 =	por !p2, p0  }
0x20: {  	[sflag:s8] =	ssyncset.s32 @!p0 $0xFFFFF086;
	s6 =	sadd.s32 @!p0 s3, s7;
	s7 =	simm.s32 @!p0 $0x108  }
0x21: {  	s3 =	sadd.s32 s3, s9;
	s6 =	sadd.s32 @!p0 $0x88, s6;
	s7 =	simm.s32 @p2 $0x1082  }
0x22: {  	[simem:s7], [sflag:s8] =	dma.local @!p0 [hbm:s6], $0xF7A  }
0x23: {  	s9 =	sor.u32 $0xD0000000, s2;
	s6 =	simm.s32 $0x108;
	_ =	swait.ge @!p0 [sflag:s8], $0x0  }
0x24: {  	s3 =	sadd.s32 $0x88, s3;
	s6 =	simm.s32 @!p1 $0x1082;
	[sflag:s4] =	ssyncset.s32 $0xFFFFF086  }
0x25: {  	[simem:s6], [sflag:s4] =	dma.local [hbm:s3], $0xF7A  }
0x26: {  	[smem:$0x3F9B] =	sst s1;
	(tag) =	ssettag s2;
	_ =	strace s9  }
0x27: {  	s1 =	sld [smem:$0x3FAB]  }
0x28: {  	s2 =	sld [smem:$0x3FAC]  }
0x29: {  	s4 =	sld [smem:$0x3FAE]  }
0x2a: {  	p0 =	seq.s32 s5, $0x0;
	s5 =	sld [smem:$0x3FAF]  }
0x2b: {  	s6 =	sld [smem:$0x3FB0]  }
0x2c: {  	s7 =	sld [smem:$0x3FB1]  }
0x2d: {  	s3 =	simm.s32 $0x108;
	s8 =	sld [smem:$0x3FB2]  }
0x2e: {  	s3 =	simm.s32 @!p0 $0x1082;
	s9 =	sld [smem:$0x3FB3]  }
0x2f: {  	lr =	sadd.s32 s0, s3;
	s0 =	sld [smem:$0x3FAA]  }
0x30: {  	s3 =	sld [smem:$0x3FAD]  }
0x31: {  	[smem:$0x3FB6] =	sst s10  }
0x32: {  	s10 =	sld [smem:$0x3FB4];
	_ =	sdelay $0x3  }
0x33: {  	p0 =	seq.s32 s10, $0x1;
	s10 =	sld [smem:$0x3FB6];
	_ =	sdelay $0x3  }
0x34: {  	[smem:$0x3FB6] =	sst s10  }
0x35: {  	s10 =	sld [smem:$0x3FB5];
	_ =	sdelay $0x3  }
0x36: {  	p1 =	seq.s32 s10, $0x1;
	s10 =	sld [smem:$0x3FB6];
	_ =	sdelay $0x3  }
0x37: {  	[smem:$0x3FB6] =	sst s10  }
0x38: {  	s10 =	sld [smem:$0x3FB7]  }
0x39: {  	_ = 	snop;
	(pc) =	sbr.ind lr, $3  }
0x3a: {  	_ = 	snop  }
0x3b: {  	_ = 	snop  }
0x3c: {  	p2 =	seq.s32 s10, $0x1;
	s10 =	sld [smem:$0x3FB6]  }
0x3d: {  	_ =	shalt  }
0x3e: {  	_ =	shalt  }
0x3f: {  	_ =	shalt  }
0x40: {  	_ =	shalt  }
0x41: {  	_ =	shalt  }
0x42: {  	_ =	shalt  }
0x43: {  	_ =	shalt  }
0x44: {  	_ =	shalt  }
0x45: {  	_ =	shalt  }
0x46: {  	_ =	shalt  }
0x47: {  	_ =	shalt  }
0x48: {  	_ =	shalt  }
0x49: {  	_ =	shalt  }
0x4a: {  	_ =	shalt  }
0x4b: {  	_ =	shalt  }
0x4c: {  	_ =	shalt  }
0x4d: {  	_ =	shalt  }
0x4e: {  	_ =	shalt  }
0x4f: {  	_ =	shalt  }
0x50: {  	_ =	shalt  }
0x51: {  	_ =	shalt  }
0x52: {  	_ =	shalt  }
0x53: {  	_ =	shalt  }
0x54: {  	_ =	shalt  }
0x55: {  	_ =	shalt  }
0x56: {  	_ =	shalt  }
0x57: {  	_ =	shalt  }
0x58: {  	_ =	shalt  }
0x59: {  	_ =	shalt  }
0x5a: {  	_ =	shalt  }
0x5b: {  	_ =	shalt  }
0x5c: {  	_ =	shalt  }
0x5d: {  	_ =	shalt  }
0x5e: {  	_ =	shalt  }
0x5f: {  	_ =	shalt  }
0x60: {  	_ =	shalt  }
0x61: {  	_ =	shalt  }
0x62: {  	_ =	shalt  }
0x63: {  	_ =	shalt  }
0x64: {  	_ =	shalt  }
0x65: {  	_ =	shalt  }
0x66: {  	_ =	shalt  }
0x67: {  	_ =	shalt  }
0x68: {  	_ =	shalt  }
0x69: {  	_ =	shalt  }
0x6a: {  	_ =	shalt  }
0x6b: {  	_ =	shalt  }
0x6c: {  	_ =	shalt  }
0x6d: {  	_ =	shalt  }
0x6e: {  	_ =	shalt  }
0x6f: {  	_ =	shalt  }
0x70: {  	_ =	shalt  }
0x71: {  	_ =	shalt  }
0x72: {  	_ =	shalt  }
0x73: {  	_ =	shalt  }
0x74: {  	_ =	shalt  }
0x75: {  	_ =	shalt  }
0x76: {  	_ =	shalt  }
0x77: {  	_ =	shalt  }
0x78: {  	_ =	shalt  }
0x79: {  	_ =	shalt  }
0x7a: {  	_ =	shalt  }
0x7b: {  	_ =	shalt  }
0x7c: {  	_ =	shalt  }
0x7d: {  	_ =	shalt  }
0x7e: {  	_ =	shalt  }
0x7f: {  	_ =	shalt  }
0x80: {  	_ =	shalt  }
0x81: {  	_ =	shalt  }
0x82: {  	_ =	shalt  }
0x83: {  	_ =	shalt  }
0x84: {  	_ =	shalt  }
0x85: {  	_ =	shalt  }
0x86: {  	_ =	shalt  }
0x87: {  	_ =	shalt  }
.Lfunc_end0:
.L_simem_size_0:
called_computation_lowered:
.L_overlay_start_0:
0x88: {  	s2 =	sld [smem:$0x3FD9]  }
0x89: {  	s3 =	sld [smem:$0x3FFE];
	_ =	sdelay $0x1  }
0x8a: {  	s1 =	srdreg.scid  }
0x8b: {  	s0 =	sand.u32 $0x1, s1  }
0x8c: {  	s17 =	sshll.u32 s0, $0xA;
	s2 =	sadd.s32 s3, s2  }
0x8d: {  	s2 =	sadd.s32 s2, s17  }
0x8e: {  	[smem:$0x3FC2] =	sst s2  }
0x8f: {  	_ = 	snop  }
0x90: {  	s2 =	sld [smem:$0x3FC7]  }
0x91: {  	s18 =	sld [smem:$0x3FD0];
	(tm) =	ssettm $0x1  }
0x92: {  	s4 =	sld [smem:$0x3FFB];
	_ =	sdelay $0x3  }
0x93: {  	_ =	strace s4  }
0x94: {  	s4 =	sld [smem:$0x3FFC];
	_ =	sdelay $0x3  }
0x95: {  	_ =	strace s4  }
0x96: {  	s4 =	sld [smem:$0x3FFD];
	_ =	sdelay $0x3  }
0x97: {  	_ =	strace s4  }
0x98: {  	_ =	strace $0x8FFFFFFF  }
0x99: {  	s19 =	sld [smem:$0x3FDB];
	_ =	sdelay $0x1  }
0x9a: {  	s5 =	simm.s32 $_scs_section_size  }
0x9b: {  	s6 =	simm.s32 $_size__tile_overlayer_lowered;
	s7 =	simm.s32 $_tile_overlayer_lowered  }
0x9c: {  	s22 =	simm.s32 $0x1BFF;
	s21 =	sshll.u32 s7, $0x1;
	s4 =	sadd.s32 s5, s19  }
0x9d: {  	s8 =	simm.s32 $0x0;
	s20 =	sshll.u32 s6, $0x1;
	s6 =	sadd.s32 s21, s4  }
0x9e: {  	[timem:s8], [sflag:s22] =	dma.local [hbm:s6], s20  }
0x9f: {  	_ =	swait.ge [sflag:s22], s20  }
0xa0: {  	s5 =	ssub.s32 $0x0, s20;
	[sflag:s22] =	ssyncset.done $0x0  }
0xa1: {  	[sflag:s22] =	ssyncadd.s32 s5;
	_ =	sdelay $0x1  }
0xa2: {  	s23 =	simm.s32 $0x1B8B  }
0xa3: {  	_ =	swait.ge [sflag:s23], $0x1  }
0xa4: {  	[sflag:s23] =	ssyncset.done $0x0  }
0xa5: {  	s25 =	simm.s32 $0x1B8E;
	s24 =	sld [smem:$0x3FFE];
	[sflag:s23] =	ssyncadd.s32 $0xFFFFFFFF  }
0xa6: {  	s26 =	simm.s32 $execute0_lowered;
	[smem:$0x3FD2] =	sst s25  }
0xa7: {  	s6 =	sshll.u32 s26, $0x1;
	_ =	strace $0x80000046;
	[dreg:$0x1] =	wrdreg $0xFFFFFFFF  }
0xa8: {  	s28 =	simm.s32 $_size_execute0_lowered;
	s4 =	sadd.s32 s4, s6;
	[dreg:$0x0] =	wrdreg $0x0  }
0xa9: {  	s6 =	sshll.u32 s28, $0x1;
	[dreg:$0x2] =	wrdreg s4  }
0xaa: {  	[dreg:$0x3] =	wrdreg s6  }
0xab: {  	[dreg:$0x4] =	wrdreg $0xC0  }
0xac: {  	_ =	task [dreg:s8], $0x5FFFF  }
0xad: {  	[dreg:$0x1] =	wrdreg $0xFFFFFFFF  }
0xae: {  	[dreg:$0x0] =	wrdreg $0x60  }
0xaf: {  	[dreg:$0x2] =	wrdreg s18  }
0xb0: {  	[dreg:$0x3] =	wrdreg s24  }
0xb1: {  	[dreg:$0x4] =	wrdreg s2  }
0xb2: {  	[dreg:$0x5] =	wrdreg $0xD1E00  }
0xb3: {  	[dreg:$0x6] =	wrdreg $0x16E200  }
0xb4: {  	[dreg:$0x7] =	wrdreg $0x1D4200  }
0xb5: {  	[dreg:$0x8] =	wrdreg $0x9  }
0xb6: {  	_ =	task.clear_ibuf [dreg:s8], $0x9FFFF;
	_ =	strace $0x90000046  }
0xb7: {  	s29 =	simm.s32 $0x9;
	_ =	strace $0x80000048  }
0xb8: {  	_ =	swait.ge [sflag:s29], $0x1  }
0xb9: {  	[sflag:s29] =	ssyncadd.s32 $0xFFFFFFFF  }
0xba: {  	_ =	strace $0x90000048  }
0xbb: {  	_ =	sfence  }
0xbc: {  	s30 =	sld [smem:$0x0];
	_ =	sdelay $0x2  }
0xbd: {  	s31 =	sshll.u32 s1, $0xD;
	s1 =	sshrl.u32 s1, $0x2  }
0xbe: {  	s3 =	sand.u32 $0x4000, s31;
	s1 =	sadd.s32 s1, s30  }
0xbf: {  	s0 =	sor.u32 s3, s0;
	s1 =	sshll.u32 s1, $0x11  }
0xc0: {  	s0 =	sor.u32 s1, s0  }
0xc1: {  	s0 =	sadd.s32 $0x8F2B, s0  }
0xc2: {  	[sflag:s0] =	ssyncadd.remote.s32 $0x1  }
0xc3: {  	_ =	sfence.sel $0xFFFF  }
0xc4: {  	[dreg:$0x0] =	wrdreg $0xFFFFFFFF;
	(pc) =	sbr.abs _section_cstart, $3  }
0xc5: {  	[dreg:$0x1] =	wrdreg $0xFFFFFFFF  }
0xc6: {  	_ =	task.clear_ibuf [dreg:s8], $0x2FFFF;
	_ =	strace $0x9FFFFFFF  }
0xc7: {  	(tm) =	ssettm $0x7FFFFFFF  }
tec
execute0_lowered:
.L_overlay_start_1:
0x0: {  	(tag) =	ssettag $0x1  }
0x1: {  	s0 =	rddreg [dreg:$0x0]  }
0x2: {  	s3 =	rddreg [dreg:$0x1]  }
0x3: {  	s5 =	rddreg [dreg:$0x2]  }
0x4: {  	s1 =	rddreg [dreg:$0x3]  }
0x5: {  	s2 =	rddreg [dreg:$0x4]  }
0x6: {  	s4 =	rddreg [dreg:$0x5]  }
0x7: {  	s18 =	simm.s32 $0x0;
	s14 =	stileid.u32;
	s7 =	srdreg.scid  }
0x8: {  	[smem:$0x7FF] =	sst s18;
	s6 =	smul.u32 $0x9C4, s14  }
0x9: {  	s8 =	sadd.s32 $0x1400, s3;
	s13 =	sand.u32 $0x1, s7;
	s12 =	smul.u32 $0x9C40, s14  }
0xa: {  	s9 =	sadd.s32 $0x28A00, s3;
	s15 =	sadd.s32 $0x161200, s3;
	s21 =	smul.u32 $0x19800, s14  }
0xb: {  	s31 =	smul.u32 $0x2710, s14;
	_ =	strace $0x80000047;
	s10 =	ssub.s32 $0x2, s13  }
0xc: {  	[dreg:$0x8] =	wrdreg s13;
	p0 =	seq.s32 s13, $0x0;
	s20 =	sadd.s32 s6, s3  }
0xd: {  	s11 =	sshrl.u32 s10, $0x1;
	s3 =	sadd.s32 $0x299A00, s3;
	s5 =	sadd.s32 s5, s6  }
0xe: {  	s23 =	sshrl.u32 s21, $0x2;
	s8 =	smov.u32 @p0 s0;
	[dreg:$0xa] =	wrdreg s3  }
0xf: {  	s15 =	smov.u32 @p0 s9;
	s3 =	ssub.s32 s10, s11;
	[dreg:$0xc] =	wrdreg s5  }
0x10: {  	s10 =	smul.u32 $0x198, s14;
	s16 =	sadd.s32 $0x14E00, s20;
	[dreg:$0x9] =	wrdreg s15  }
0x11: {  	s11 =	sadd.s32 s12, s1;
	s22 =	sadd.s32 $0x1EC00, s20;
	[dreg:$0xb] =	wrdreg s16  }
0x12: {  	s12 =	sshrl.u32 s12, $0x3;
	s17 =	sadd.s32 s23, s2;
	[dreg:$0xd] =	wrdreg s22  }
0x13: {  	s19 =	sadd.s32 s8, s12;
	s3 =	smax.u32 s3, $0x1;
	s9 =	sadd.s32 $0x1800, s17  }
0x14: {  	s29 =	sadd.s32 $0x5800, s17;
	s8 =	simm.s32 $0x1;
	s6 =	sadd.s32 $0x40, s10  }
0x15: {  	s7 =	sadd.s32 $0x80, s10;
	s13 =	sadd.s32 $0xC0, s10;
	s0 =	sadd.s32 $0x100, s10  }
0x16: {  	[dreg:$0x11] =	wrdreg s19;
	s21 =	sadd.s32 $0x140, s10;
	s22 =	sadd.s32 $0x180, s10  }
0x17: {  	s19 =	smul.u32 $0x19000, s14;
	[dreg:$0x1c] =	wrdreg s3;
	s3 =	sadd.s32 $0x800, s17  }
0x18: {  	s24 =	sshll.u32 s6, $0x6;
	s25 =	sshll.u32 s7, $0x6;
	s26 =	sshll.u32 s13, $0x6  }
0x19: {  	s20 =	sshll.u32 s0, $0x6;
	s23 =	sshll.u32 s21, $0x6;
	s6 =	sshll.u32 s6, $0x4  }
0x1a: {  	s15 =	sshll.u32 s7, $0x4;
	s0 =	sshll.u32 s0, $0x4;
	s7 =	simm.s32 $0xBDE0  }
0x1b: {  	s5 =	sadd.s32 s24, s2;
	s16 =	sadd.s32 s26, s2;
	s24 =	smul.u32 $0x6600, s14  }
0x1c: {  	s26 =	sshll.u32 s22, $0x6;
	s12 =	sadd.s32 s6, s4;
	[dreg:$0xe] =	wrdreg s5  }
0x1d: {  	s0 =	sadd.s32 s0, s4;
	s6 =	simm.s32 $0x4E20;
	[dreg:$0x10] =	wrdreg s16  }
0x1e: {  	s5 =	sadd.s32 s25, s2;
	s25 =	sadd.s32 s23, s2;
	[dreg:$0x16] =	wrdreg s12  }
0x1f: {  	s16 =	sshll.u32 s13, $0x4;
	[dreg:$0x19] =	wrdreg s0;
	s0 =	sshrl.u32 s19, $0x2  }
0x20: {  	s13 =	simm.s32 $0x80;
	s12 =	simm.s32 $0x9D60;
	[dreg:$0xf] =	wrdreg s5  }
0x21: {  	s5 =	sadd.s32 s20, s2;
	[dreg:$0x13] =	wrdreg s25;
	s10 =	sshrl.u32 s24, $0x2  }
0x22: {  	s20 =	sshll.u32 s21, $0x4;
	s21 =	sshll.u32 s22, $0x4;
	s22 =	smul.u32 $0x6400, s14  }
0x23: {  	s0 =	sadd.s32 s0, s2;
	s25 =	sshll.u32 s14, $0x6;
	s14 =	simm.s32 $0x9DE0  }
0x24: {  	[dreg:$0x12] =	wrdreg s5;
	s5 =	sadd.s32 s26, s2;
	s23 =	sadd.s32 s21, s4  }
0x25: {  	s30 =	sor.u32 $0x1C02, s25;
	s26 =	sshrl.u32 s11, $0x3;
	[dreg:$0x14] =	wrdreg s5  }
0x26: {  	s0 =	sshrl.u32 s0, $0x3;
	s11 =	sadd.s32 $0x3800, s17;
	[dreg:$0x1b] =	wrdreg s23  }
0x27: {  	s5 =	sadd.s32 s10, s4;
	s24 =	sshrl.u32 s22, $0x2;
	[dreg:$0x1d] =	wrdreg s26  }
.Ltmp0:
0x28: {  	s10 =	sadd.s32 $0x2800, s17;
	s26 =	smov.u32 s17;
	(pc) =	sbr.rel .LBB2_1-.Ltmp0, $4  }
0x29: {  	[dreg:$0x15] =	wrdreg s5;
	s5 =	sadd.s32 s15, s4;
	s28 =	sadd.s32 s24, s4  }
0x2a: {  	s15 =	simm.s32 $0x9CE0;
	[dreg:$0x17] =	wrdreg s5;
	s5 =	sadd.s32 s16, s4  }
0x2b: {  	s16 =	sadd.s32 $0x4800, s17;
	[dreg:$0x18] =	wrdreg s5;
	s5 =	sadd.s32 s20, s4  }
0x2c: {  	v0 =	vimm.f32 $0.0e+00;
	v1 =	vimm.f32 $1.000000000e+00;
	v2 =	vimm.s32 $0x0;
	s17 =	simm.s32 $0x3;
	[dreg:$0x1a] =	wrdreg s5;
	s5 =	simm.s32 $0x2  }
.LBB2_19:
0x2d: {  	s18 =	rddreg [dreg:$0x7]  }
0x2e: {  	s19 =	rddreg [dreg:$0x1c];
	s18 =	sadd.s32 $0x1, s18  }
0x2f: {  	p0 =	sne.s32 s18, s19  }
.Ltmp1:
0x30: {  	_ = 	snop;
	(pc) =	sbr.rel @!p0 .LBB2_20-.Ltmp1, $1  }
0x31: {  	_ =	sdelay $0x3  }
.LBB2_1:
0x32: {  	[dreg:$0x7] =	wrdreg s18;
	s19 =	simm.s32 $0x100;
	s18 =	simm.s32 $0x0  }
.LBB2_2:
0x33: {  	p0 =	sne.s32 s19, $0x1F00;
	[tilespmem:s18+$0xBE10] =	vst v0;
	s20 =	smov.u32 s19;
	s19 =	sadd.s32 $0x100, s19  }
.Ltmp2:
0x34: {  	[tilespmem:s18+$0xBE00] =	vst v0;
	(pc) =	sbr.rel @p0 .LBB2_2-.Ltmp2, $3  }
0x35: {  	[tilespmem:s18+$0xBDE0] =	vst v0  }
0x36: {  	[tilespmem:s18+$0xBDF0] =	vst v0;
	_ =	sdelay $0x1  }
0x37: {  	s18 =	sshra.s32 s20, $0x2  }
0x38: {  	[tilespmem:s18+$0xBE10] =	vst v0  }
0x39: {  	[tilespmem:s18+$0xBE00] =	vst v0  }
0x3a: {  	[tilespmem:s18+$0xBDE0] =	vst v0  }
0x3b: {  	[tilespmem:s18+$0xBDF0] =	vst v0;
	s18 =	simm.s32 $0x40;
	s19 =	simm.s32 $0x0  }
.LBB2_4:
0x3c: {  	p0 =	sne.s32 s18, $0xFC0;
	[tilespmem:s19+$0xC5E0] =	vst v0;
	s19 =	smov.u32 s18;
	s18 =	sadd.s32 $0x40, s18  }
.Ltmp3:
0x3d: {  	(pc) =	sbr.rel @p0 .LBB2_4-.Ltmp3, $2  }
0x3e: {  	_ =	sdelay $0x2  }
0x3f: {  	s19 =	sshra.s32 s19, $0x2  }
0x40: {  	[tilespmem:s19+$0xC5E0] =	vst v0;
	s18 =	simm.s32 $0x40;
	s19 =	simm.s32 $0x0  }
.LBB2_6:
0x41: {  	p0 =	sne.s32 s18, $0x1FC0;
	[tilespmem:s19+$0xC9E0] =	vst v1;
	s19 =	smov.u32 s18;
	s18 =	sadd.s32 $0x40, s18  }
.Ltmp4:
0x42: {  	(pc) =	sbr.rel @p0 .LBB2_6-.Ltmp4, $2  }
0x43: {  	_ =	sdelay $0x2  }
0x44: {  	s19 =	sshra.s32 s19, $0x2  }
0x45: {  	s18 =	rddreg [dreg:$0x11]  }
0x46: {  	[tilespmem:s19+$0xC9E0] =	vst v1;
	s22 =	rddreg [dreg:$0x1d]  }
0x47: {  	[spmem:s22], [sflag:s30] =	dma.local [hbm:s18], $0x1388  }
0x48: {  	_ =	swait.ge [sflag:s5], $0x1388  }
0x49: {  	[sflag:s5] =	ssyncset.done $0x0  }
0x4a: {  	s23 =	simm.s32 $0x0;
	s24 =	rddreg [dreg:$0xb];
	[sflag:s5] =	ssyncadd.s32 $0xFFFFEC78  }
0x4b: {  	[tilespmem:s23], [sflag:$0x2] =	stream.linear.gather [hbm4b:s24+s23], $0x4E20, $0x38;
	[tilespmem:$0x1EDA0] =	vst v63  }
0x4c: {  	_ =	swait.ge [sflag:s5], $0x4E20  }
0x4d: {  	[sflag:s5] =	ssyncset.done $0x0  }
0x4e: {  	s25 =	rddreg [dreg:$0xc];
	[sflag:s5] =	ssyncadd.s32 $0xFFFFB1E0  }
0x4f: {  	[tilespmem:s6], [sflag:$0x2] =	stream.linear.gather [hbm4b:s25+s23], $0x4E20, $0x38;
	[tilespmem:$0x1EDA0] =	vst v63  }
0x50: {  	_ =	swait.ge [sflag:s5], $0x4E20  }
0x51: {  	[sflag:s5] =	ssyncset.done $0x0  }
0x52: {  	s18 =	simm.s32 $0x0;
	[sflag:s5] =	ssyncadd.s32 $0xFFFFB1E0  }
0x53: {  	v3 =	vld [tilespmem:s18+$0x4E20]  }
0x54: {  	v4 =	vld [tilespmem:s18+$0x0];
	_ =	sdelay $0x3  }
0x55: {  	v3 =	vshll.u32 v3, $0xE  }
0x56: {  	s20 =	simm.s32 $0x10;
	s19 =	simm.s32 $0x80;
	v3 =	vor.u32 v4, v3  }
.LBB2_8:
0x57: {  	p0 =	sne.s32 s19, $0x13840;
	v4 =	vld [tilespmem:s20+$0x4E20];
	[tilespmem:s18+$0x0] =	vst v3;
	s18 =	smov.u32 s20  }
0x58: {  	v3 =	vld [tilespmem:s18+$0x0]  }
.Ltmp5:
0x59: {  	(pc) =	sbr.rel @p0 .LBB2_8-.Ltmp5, $3  }
0x5a: {  	_ =	sdelay $0x1  }
0x5b: {  	v4 =	vshll.u32 v4, $0xE  }
0x5c: {  	s20 =	sshra.s32 s19, $0x2;
	s19 =	sadd.s32 $0x40, s19;
	v3 =	vor.u32 v3, v4  }
0x5d: {  	v4 =	vld [tilespmem:s20+$0x4E20];
	[tilespmem:s18+$0x0] =	vst v3  }
0x5e: {  	v3 =	vld [tilespmem:s20+$0x0];
	_ =	sdelay $0x3  }
0x5f: {  	v4 =	vshll.u32 v4, $0xE  }
0x60: {  	v3 =	vor.u32 v3, v4  }
0x61: {  	s25 =	simm.s32 $0x0;
	s19 =	rddreg [dreg:$0xd];
	[tilespmem:s20+$0x0] =	vst v3  }
0x62: {  	[tilespmem:s6], [sflag:$0x2] =	stream.linear.gather [hbm4b:s19+s25], $0x4E20, $0x38;
	[tilespmem:$0x1EDA0] =	vst v63  }
0x63: {  	_ =	swait.ge [sflag:s5], $0x4E20  }
0x64: {  	[sflag:s5] =	ssyncset.done $0x0  }
0x65: {  	s18 =	simm.s32 $0x0;
	[sflag:s5] =	ssyncadd.s32 $0xFFFFB1E0  }
0x66: {  	v3 =	vld [tilespmem:s18+$0x4E20]  }
0x67: {  	v4 =	vld [tilespmem:s18+$0x0];
	_ =	sdelay $0x3  }
0x68: {  	v3 =	vshll.u32 v3, $0x12  }
0x69: {  	s20 =	simm.s32 $0x10;
	s19 =	simm.s32 $0x80;
	v3 =	vor.u32 v4, v3  }
.LBB2_10:
0x6a: {  	p0 =	sne.s32 s19, $0x13840;
	v4 =	vld [tilespmem:s20+$0x4E20];
	[tilespmem:s18+$0x0] =	vst v3;
	s18 =	smov.u32 s20  }
0x6b: {  	v3 =	vld [tilespmem:s18+$0x0]  }
.Ltmp6:
0x6c: {  	(pc) =	sbr.rel @p0 .LBB2_10-.Ltmp6, $3  }
0x6d: {  	_ =	sdelay $0x1  }
0x6e: {  	v4 =	vshll.u32 v4, $0x12  }
0x6f: {  	s20 =	sshra.s32 s19, $0x2;
	s19 =	sadd.s32 $0x40, s19;
	v3 =	vor.u32 v3, v4  }
0x70: {  	v4 =	vld [tilespmem:s20+$0x4E20];
	[tilespmem:s18+$0x0] =	vst v3  }
0x71: {  	v3 =	vld [tilespmem:s20+$0x0];
	_ =	sdelay $0x3  }
.Ltmp7:
0x72: {  	v4 =	vshll.u32 v4, $0x12;
	(pc) =	sbr.rel .LBB2_12-.Ltmp7, $4  }
0x73: {  	v3 =	vor.u32 v3, v4  }
0x74: {  	[tilespmem:s20+$0x0] =	vst v3  }
0x75: {  	[bflag:$0x0] =	sbarrier.arrive $0xFFFF  }
0x76: {  	s18 =	simm.s32 $0x0  }
.LBB2_17:
0x77: {  	[sflag:s21] =	ssyncadd.s32 @!p0 $0xFFFFF800  }
.LBB2_18:
0x78: {  	s19 =	sadd.s32 s31, s19;
	[bflag:$0x0] =	sbarrier.arrive $0xFFFF  }
0x79: {  	s20 =	sshll.u32 s19, $0x3;
	s21 =	rddreg [dreg:$0x9]  }
0x7a: {  	s20 =	sadd.s32 s21, s20  }
0x7b: {  	[hbm:s20], [sflag:s30] =	dma.local [spmem:s0], $0xC80  }
0x7c: {  	_ =	swait.ge [sflag:s5], $0xC80  }
0x7d: {  	s19 =	sshll.u32 @!p0 s19, $0x1;
	[sflag:s5] =	ssyncset.done $0x0;
	s20 =	rddreg [dreg:$0xa]  }
0x7e: {  	[sflag:s5] =	ssyncadd.s32 $0xFFFFF380;
	s19 =	sadd.s32 @!p0 s20, s19;
	s20 =	sshrl.u32 @!p0 s28, $0x3  }
0x7f: {  	[hbm:s19], [sflag:s30] =	dma.local @!p0 [spmem:s20], $0x320  }
0x80: {  	s19 =	simm.s32 @!p0 $0x2  }
0x81: {  	_ =	swait.ge @!p0 [sflag:s19], $0x320  }
0x82: {  	s18 =	sadd.s32 $0x1, s18;
	[sflag:s19] =	ssyncset.done @!p0 $0x0  }
0x83: {  	[sflag:s19] =	ssyncadd.s32 @!p0 $0xFFFFFCE0;
	p0 =	sne.s32 s18, $0x19  }
.Ltmp8:
0x84: {  	_ = 	snop;
	(pc) =	sbr.rel @!p0 .LBB2_19-.Ltmp8, $2  }
0x85: {  	_ =	sdelay $0x1  }
0x86: {  	[bflag:$0x0] =	sbarrier.arrive $0xFFFF;
	_ =	sdelay $0x1  }
.LBB2_12:
0x87: {  	[spmem:s26] =	stream.linear.scatter [tilespmem:s7], [sflag:$0x2], $0x800, $0x38;
	[tilespmem:$0x1EDA0] =	vst v63  }
0x88: {  	_ =	swait.ge [sflag:s5], $0x800  }
0x89: {  	[sflag:s5] =	ssyncset.done $0x0  }
0x8a: {  	[sflag:s5] =	ssyncadd.s32 $0xFFFFF800  }
0x8b: {  	[spmem:s3] =	stream.linear.scatter [tilespmem:s7], [sflag:$0x2], $0x800, $0x38;
	[tilespmem:$0x1EDA0] =	vst v63  }
0x8c: {  	_ =	swait.ge [sflag:s5], $0x800  }
0x8d: {  	[sflag:s5] =	ssyncset.done $0x0  }
0x8e: {  	s19 =	rddreg [dreg:$0xe];
	[sflag:s5] =	ssyncadd.s32 $0xFFFFF800  }
0x8f: {  	[spmem:s19] =	stream.linear.scatter [tilespmem:s7], [sflag:$0x2], $0x800, $0x38;
	[tilespmem:$0x1EDA0] =	vst v63  }
0x90: {  	_ =	swait.ge [sflag:s5], $0x800  }
0x91: {  	[sflag:s5] =	ssyncset.done $0x0  }
0x92: {  	[sflag:s5] =	ssyncadd.s32 $0xFFFFF800  }
0x93: {  	[spmem:s9] =	stream.linear.scatter [tilespmem:s7], [sflag:$0x2], $0x800, $0x38;
	[tilespmem:$0x1EDA0] =	vst v63  }
0x94: {  	_ =	swait.ge [sflag:s5], $0x800  }
0x95: {  	[sflag:s5] =	ssyncset.done $0x0  }
0x96: {  	s23 =	rddreg [dreg:$0xf];
	[sflag:s5] =	ssyncadd.s32 $0xFFFFF800  }
0x97: {  	[spmem:s23] =	stream.linear.scatter [tilespmem:s7], [sflag:$0x2], $0x800, $0x38;
	[tilespmem:$0x1EDA0] =	vst v63  }
0x98: {  	_ =	swait.ge [sflag:s5], $0x800  }
0x99: {  	[sflag:s5] =	ssyncset.done $0x0  }
0x9a: {  	[sflag:s5] =	ssyncadd.s32 $0xFFFFF800  }
0x9b: {  	[spmem:s10] =	stream.linear.scatter [tilespmem:s7], [sflag:$0x2], $0x800, $0x38;
	[tilespmem:$0x1EDA0] =	vst v63  }
0x9c: {  	_ =	swait.ge [sflag:s5], $0x800  }
0x9d: {  	[sflag:s5] =	ssyncset.done $0x0  }
0x9e: {  	s24 =	rddreg [dreg:$0x10];
	[sflag:s5] =	ssyncadd.s32 $0xFFFFF800  }
0x9f: {  	[spmem:s24] =	stream.linear.scatter [tilespmem:s7], [sflag:$0x2], $0x800, $0x38;
	[tilespmem:$0x1EDA0] =	vst v63  }
0xa0: {  	_ =	swait.ge [sflag:s5], $0x800  }
0xa1: {  	[sflag:s5] =	ssyncset.done $0x0  }
0xa2: {  	[sflag:s5] =	ssyncadd.s32 $0xFFFFF800  }
0xa3: {  	[spmem:s11] =	stream.linear.scatter [tilespmem:s7], [sflag:$0x2], $0x800, $0x38;
	[tilespmem:$0x1EDA0] =	vst v63  }
0xa4: {  	_ =	swait.ge [sflag:s5], $0x800  }
0xa5: {  	[sflag:s5] =	ssyncset.done $0x0  }
0xa6: {  	s25 =	rddreg [dreg:$0x12];
	[sflag:s5] =	ssyncadd.s32 $0xFFFFF800  }
0xa7: {  	[spmem:s25] =	stream.linear.scatter [tilespmem:s7], [sflag:$0x2], $0x800, $0x38;
	[tilespmem:$0x1EDA0] =	vst v63  }
0xa8: {  	_ =	swait.ge [sflag:s5], $0x800  }
0xa9: {  	[sflag:s5] =	ssyncset.done $0x0  }
0xaa: {  	[sflag:s5] =	ssyncadd.s32 $0xFFFFF800  }
0xab: {  	[spmem:s16] =	stream.linear.scatter [tilespmem:s7], [sflag:$0x2], $0x800, $0x38;
	[tilespmem:$0x1EDA0] =	vst v63  }
0xac: {  	_ =	swait.ge [sflag:s5], $0x800  }
0xad: {  	[sflag:s5] =	ssyncset.done $0x0  }
0xae: {  	s20 =	rddreg [dreg:$0x13];
	[sflag:s5] =	ssyncadd.s32 $0xFFFFF800  }
0xaf: {  	[spmem:s20] =	stream.linear.scatter [tilespmem:s7], [sflag:$0x2], $0x800, $0x38;
	[tilespmem:$0x1EDA0] =	vst v63  }
0xb0: {  	_ =	swait.ge [sflag:s5], $0x800  }
0xb1: {  	[sflag:s5] =	ssyncset.done $0x0  }
0xb2: {  	[sflag:s5] =	ssyncadd.s32 $0xFFFFF800  }
0xb3: {  	[spmem:s29] =	stream.linear.scatter [tilespmem:s7], [sflag:$0x2], $0x800, $0x38;
	[tilespmem:$0x1EDA0] =	vst v63  }
0xb4: {  	_ =	swait.ge [sflag:s5], $0x800  }
0xb5: {  	[sflag:s5] =	ssyncset.done $0x0  }
0xb6: {  	s21 =	rddreg [dreg:$0x14];
	[sflag:s5] =	ssyncadd.s32 $0xFFFFF800  }
0xb7: {  	[spmem:s21] =	stream.linear.scatter [tilespmem:s7], [sflag:$0x2], $0x600, $0x38;
	[tilespmem:$0x1EDA0] =	vst v63  }
0xb8: {  	_ =	swait.ge [sflag:s5], $0x600  }
0xb9: {  	s22 =	sand.u32 $0x1, s18;
	s20 =	rddreg [dreg:$0x8]  }
0xba: {  	[sflag:s5] =	ssyncset.done $0x0;
	p0 =	sne.s32 s22, s20  }
0xbb: {  	[sflag:s5] =	ssyncadd.s32 $0xFFFFFA00;
	s20 =	rddreg [dreg:$0x15];
	s19 =	simm.s32 @!p0 $0xC5E0  }
0xbc: {  	[spmem:s20] =	stream.linear.scatter @!p0 [tilespmem:s19], [sflag:$0x2], $0x400, $0x38;
	[tilespmem:$0x1EDA0] =	vst v63  }
0xbd: {  	s20 =	simm.s32 @!p0 $0x2  }
0xbe: {  	_ =	swait.ge @!p0 [sflag:s20], $0x400  }
0xbf: {  	[sflag:s20] =	ssyncset.done @!p0 $0x0  }
0xc0: {  	s21 =	rddreg [dreg:$0x16];
	[sflag:s20] =	ssyncadd.s32 @!p0 $0xFFFFFC00  }
0xc1: {  	[spmem:s21] =	stream.linear.scatter @!p0 [tilespmem:s19], [sflag:$0x2], $0x400, $0x38;
	[tilespmem:$0x1EDA0] =	vst v63  }
0xc2: {  	_ =	swait.ge @!p0 [sflag:s20], $0x400  }
0xc3: {  	[sflag:s20] =	ssyncset.done @!p0 $0x0  }
0xc4: {  	s21 =	rddreg [dreg:$0x17];
	[sflag:s20] =	ssyncadd.s32 @!p0 $0xFFFFFC00  }
0xc5: {  	[spmem:s21] =	stream.linear.scatter @!p0 [tilespmem:s19], [sflag:$0x2], $0x400, $0x38;
	[tilespmem:$0x1EDA0] =	vst v63  }
0xc6: {  	_ =	swait.ge @!p0 [sflag:s20], $0x400  }
0xc7: {  	[sflag:s20] =	ssyncset.done @!p0 $0x0  }
0xc8: {  	s21 =	rddreg [dreg:$0x18];
	[sflag:s20] =	ssyncadd.s32 @!p0 $0xFFFFFC00  }
0xc9: {  	[spmem:s21] =	stream.linear.scatter @!p0 [tilespmem:s19], [sflag:$0x2], $0x400, $0x38;
	[tilespmem:$0x1EDA0] =	vst v63  }
0xca: {  	_ =	swait.ge @!p0 [sflag:s20], $0x400  }
0xcb: {  	[sflag:s20] =	ssyncset.done @!p0 $0x0  }
0xcc: {  	s21 =	rddreg [dreg:$0x19];
	[sflag:s20] =	ssyncadd.s32 @!p0 $0xFFFFFC00  }
0xcd: {  	[spmem:s21] =	stream.linear.scatter @!p0 [tilespmem:s19], [sflag:$0x2], $0x400, $0x38;
	[tilespmem:$0x1EDA0] =	vst v63  }
0xce: {  	_ =	swait.ge @!p0 [sflag:s20], $0x400  }
0xcf: {  	[sflag:s20] =	ssyncset.done @!p0 $0x0  }
0xd0: {  	s21 =	rddreg [dreg:$0x1a];
	[sflag:s20] =	ssyncadd.s32 @!p0 $0xFFFFFC00  }
0xd1: {  	[spmem:s21] =	stream.linear.scatter @!p0 [tilespmem:s19], [sflag:$0x2], $0x400, $0x38;
	[tilespmem:$0x1EDA0] =	vst v63  }
0xd2: {  	_ =	swait.ge @!p0 [sflag:s20], $0x400  }
0xd3: {  	[sflag:s20] =	ssyncset.done @!p0 $0x0  }
0xd4: {  	s21 =	rddreg [dreg:$0x1b];
	[sflag:s20] =	ssyncadd.s32 @!p0 $0xFFFFFC00  }
0xd5: {  	[spmem:s21] =	stream.linear.scatter @!p0 [tilespmem:s19], [sflag:$0x2], $0x180, $0x38;
	[tilespmem:$0x1EDA0] =	vst v63  }
0xd6: {  	_ =	swait.ge @!p0 [sflag:s20], $0x180  }
0xd7: {  	[sflag:s20] =	ssyncset.done @!p0 $0x0  }
0xd8: {  	[sflag:s20] =	ssyncadd.s32 @!p0 $0xFFFFFE80  }
0xd9: {  	s23 =	simm.s32 $0x0;
	[bflag:$0x0] =	sbarrier.arrive $0xFFFF  }
0xda: {  	v5 =	vld [tilespmem:s23+$0x0];
	_ =	sdelay $0x1  }
0xdb: {  	s19 =	smul.u32 $0x190, s18;
	_ =	sdelay $0x1  }
0xdc: {  	s24 =	sadd.s32 $0x190, s19  }
0xdd: {  	v3 =	vmov s19;
	v4 =	vmov s24;
	v6 =	vand.u32 $0x3FFF, v5  }
0xde: {  	vm0 =	vge.u32 v6, v3;
	vm1 =	vlt.u32 v6, v4  }
0xdf: {  	vm0 =	vmand vm0, vm1  }
0xe0: {  	v6 =	vsel vm0, $0x1, v2  }
0xe1: {  	(xrf0) =	vadd.scan.msk.s32 $0xffff, v6;
	_ =	sdelay $0x5  }
0xe2: {  	s25 =	simm.s32 $0xFFFFFFFF;
	v6, _, _ =	vpop (xrf0)  }
0xe3: {  	v7 =	vadd.s32 s25, v6;
	(v2sf) =	vpush v6, $0xF;
	_ =	sdelay $0x4  }
0xe4: {  	s22 =	simm.s32 $0x10;
	s21 =	simm.s32 $0x80;
	s20 =	simm.s32 $0x0;
	[tilespmem:v7+s6+$0x0] =	vst.idx.msk vm0, v5  }
.LBB2_13:
0xe5: {  	p1 =	sne.s32 s21, $0x13840;
	v5 =	vld [tilespmem:s22+$0x0];
	_ =	sdelay $0x4  }
0xe6: {  	v6 =	vand.u32 $0x3FFF, v5  }
0xe7: {  	vm0 =	vge.u32 v6, v3;
	vm1 =	vlt.u32 v6, v4  }
0xe8: {  	vm0 =	vmand vm0, vm1  }
0xe9: {  	v6 =	vsel vm0, $0x1, v2  }
0xea: {  	(xrf0) =	vadd.scan.msk.s32 $0xffff, v6;
	s22 =	spop (v2sf)  }
0xeb: {  	s20 =	sadd.s32 s20, s22  }
0xec: {  	s22 =	sadd.s32 $0xFFFFFFFF, s20;
	_ =	sdelay $0x3  }
0xed: {  	v6, _, _ =	vpop (xrf0)  }
0xee: {  	v7 =	vadd.s32 s22, v6;
	(v2sf) =	vpush v6, $0xF  }
.Ltmp9:
0xef: {  	(pc) =	sbr.rel @p1 .LBB2_13-.Ltmp9, $2  }
0xf0: {  	_ =	sdelay $0x2  }
0xf1: {  	s22 =	sshra.s32 s21, $0x2;
	s21 =	sadd.s32 $0x40, s21;
	[tilespmem:v7+s6+$0x0] =	vst.idx.msk vm0, v5  }
0xf2: {  	v5 =	vld [tilespmem:s22+$0x0];
	_ =	sdelay $0x4  }
0xf3: {  	v6 =	vand.u32 $0x3FFF, v5  }
0xf4: {  	vm0 =	vge.u32 v6, v3;
	vm1 =	vlt.u32 v6, v4  }
0xf5: {  	vm0 =	vmand vm0, vm1  }
0xf6: {  	v4 =	vsel vm0, $0x1, v2  }
0xf7: {  	(xrf0) =	vadd.scan.msk.s32 $0xffff, v4;
	_ =	sdelay $0x5  }
0xf8: {  	v4, _, _ =	vpop (xrf0)  }
0xf9: {  	(v2sf) =	vpush v4, $0xF;
	_ =	sdelay $0xb  }
0xfa: {  	s21 =	spop (v2sf)  }
0xfb: {  	s20 =	sadd.s32 s20, s21  }
0xfc: {  	s21 =	sadd.s32 $0xFFFFFFFF, s20  }
0xfd: {  	v4 =	vadd.s32 s21, v4;
	s25 =	spop (v2sf)  }
0xfe: {  	s20 =	sadd.s32 s20, s25  }
0xff: {  	s23 =	sadd.s32 $0x7F, s20  }
0x100: {  	s22 =	sadd.s32 $0x1900, s19;
	s24 =	sand.u32 $0x7F, s23  }
0x101: {  	s25 =	sshra.s32 s23, $0x1F;
	p2 =	slt.s32 s23, $0x1;
	p1 =	sne.s32 s24, $0x0  }
0x102: {  	[tilespmem:v4+s6+$0x0] =	vst.idx.msk vm0, v5;
	v4 =	vmov s22;
	s22 =	sshrl.u32 s25, $0x19;
	p1 =	por !p2, !p1  }
0x103: {  	s21 =	sadd.s32 s22, s23;
	s22 =	simm.s32 $0x1;
	p1 =	por !p1, !p1  }
0x104: {  	[tilespmem:s20+$0x4E20] =	vst v4;
	s21 =	sshra.s32 s21, $0x7;
	s22 =	simm.s32 @!p1 $0x0  }
0x105: {  	[tilespmem:s20+$0x4E30] =	vst v4;
	s21 =	ssub.s32 s21, s22  }
0x106: {  	[tilespmem:s20+$0x4E40] =	vst v4;
	p1 =	slt.s32 s21, $0x1  }
.Ltmp10:
0x107: {  	[tilespmem:s20+$0x4E50] =	vst v4;
	(pc) =	sbr.rel @p1 .LBB2_18-.Ltmp10, $4  }
0x108: {  	[tilespmem:s20+$0x4E60] =	vst v4  }
0x109: {  	[tilespmem:s20+$0x4E70] =	vst v4  }
0x10a: {  	[tilespmem:s20+$0x4E80] =	vst v4  }
0x10b: {  	[tilespmem:s20+$0x4E90] =	vst v4  }
0x10c: {  	s20 =	simm.s32 $0x4E60  }
0x10d: {  	v4 =	vld [tilespmem:s20+$0xFFFFFFC0];
	_ =	sdelay $0x4  }
0x10e: {  	v3 =	vsub.s32 $0x0, v3;
	v5 =	vshrl.u32 v4, $0xE  }
0x10f: {  	v3 =	vbroadcast v3, $0x0;
	v5 =	vand.u32 $0xF, v5  }
0x110: {  	v6 =	vand.u32 $0x3FFF, v4;
	v5 =	vmul.u32 $0x190, v5  }
0x111: {  	v4 =	vshrl.u32 v4, $0x12;
	v6 =	vadd.s32 v3, v6  }
0x112: {  	[tilespmem:$0x9D60] =	vst v4;
	v5 =	vadd.s32 v5, v6  }
0x113: {  	[tilespmem:$0x9CE0] =	vst v5  }
0x114: {  	v4 =	vld [tilespmem:s20+$0xFFFFFFD0];
	_ =	sdelay $0x4  }
0x115: {  	v5 =	vshrl.u32 v4, $0xE  }
0x116: {  	v5 =	vand.u32 $0xF, v5  }
0x117: {  	v57 =	vand.u32 $0x3FFF, v4;
	v5 =	vmul.u32 $0x190, v5  }
0x118: {  	v4 =	vshrl.u32 v4, $0x12;
	v6 =	vadd.s32 v3, v57  }
0x119: {  	[tilespmem:$0x9D70] =	vst v4;
	v5 =	vadd.s32 v5, v6  }
0x11a: {  	[tilespmem:$0x9CF0] =	vst v5  }
0x11b: {  	v4 =	vld [tilespmem:s20+$0xFFFFFFE0];
	_ =	sdelay $0x4  }
0x11c: {  	v5 =	vshrl.u32 v4, $0xE  }
0x11d: {  	v5 =	vand.u32 $0xF, v5  }
0x11e: {  	v58 =	vand.u32 $0x3FFF, v4;
	v5 =	vmul.u32 $0x190, v5  }
0x11f: {  	v4 =	vshrl.u32 v4, $0x12;
	v6 =	vadd.s32 v3, v58  }
0x120: {  	[tilespmem:$0x9D80] =	vst v4;
	v5 =	vadd.s32 v5, v6  }
0x121: {  	[tilespmem:$0x9D00] =	vst v5  }
0x122: {  	v4 =	vld [tilespmem:s20+$0xFFFFFFF0];
	_ =	sdelay $0x4  }
0x123: {  	v5 =	vshrl.u32 v4, $0xE  }
0x124: {  	v5 =	vand.u32 $0xF, v5  }
0x125: {  	v59 =	vand.u32 $0x3FFF, v4;
	v5 =	vmul.u32 $0x190, v5  }
0x126: {  	v4 =	vshrl.u32 v4, $0x12;
	v6 =	vadd.s32 v3, v59  }
0x127: {  	[tilespmem:$0x9D90] =	vst v4;
	v5 =	vadd.s32 v5, v6  }
0x128: {  	[tilespmem:$0x9D10] =	vst v5  }
0x129: {  	v4 =	vld [tilespmem:s20+$0x0];
	_ =	sdelay $0x4  }
0x12a: {  	v5 =	vshrl.u32 v4, $0xE  }
0x12b: {  	v5 =	vand.u32 $0xF, v5  }
0x12c: {  	v60 =	vand.u32 $0x3FFF, v4;
	v5 =	vmul.u32 $0x190, v5  }
0x12d: {  	v4 =	vshrl.u32 v4, $0x12;
	v6 =	vadd.s32 v3, v60  }
0x12e: {  	[tilespmem:$0x9DA0] =	vst v4;
	v4 =	vadd.s32 v5, v6  }
0x12f: {  	[tilespmem:$0x9D20] =	vst v4  }
0x130: {  	v4 =	vld [tilespmem:s20+$0x10];
	_ =	sdelay $0x4  }
0x131: {  	v5 =	vshrl.u32 v4, $0xE  }
0x132: {  	v5 =	vand.u32 $0xF, v5  }
0x133: {  	v61 =	vand.u32 $0x3FFF, v4;
	v5 =	vmul.u32 $0x190, v5  }
0x134: {  	v4 =	vshrl.u32 v4, $0x12;
	v6 =	vadd.s32 v3, v61  }
0x135: {  	[tilespmem:$0x9DB0] =	vst v4;
	v4 =	vadd.s32 v5, v6  }
0x136: {  	[tilespmem:$0x9D30] =	vst v4  }
0x137: {  	v4 =	vld [tilespmem:s20+$0x20];
	_ =	sdelay $0x4  }
0x138: {  	v5 =	vshrl.u32 v4, $0xE  }
0x139: {  	v5 =	vand.u32 $0xF, v5  }
0x13a: {  	v62 =	vand.u32 $0x3FFF, v4;
	v5 =	vmul.u32 $0x190, v5  }
0x13b: {  	v4 =	vshrl.u32 v4, $0x12;
	v6 =	vadd.s32 v3, v62  }
0x13c: {  	[tilespmem:$0x9DC0] =	vst v4;
	v4 =	vadd.s32 v5, v6  }
0x13d: {  	[tilespmem:$0x9D40] =	vst v4  }
0x13e: {  	v4 =	vld [tilespmem:s20+$0x30];
	_ =	sdelay $0x4  }
0x13f: {  	v5 =	vshrl.u32 v4, $0xE  }
0x140: {  	v5 =	vand.u32 $0xF, v5  }
0x141: {  	v63 =	vand.u32 $0x3FFF, v4;
	v5 =	vmul.u32 $0x190, v5  }
0x142: {  	v4 =	vshrl.u32 v4, $0x12;
	v6 =	vadd.s32 v3, v63  }
0x143: {  	[tilespmem:$0x9DD0] =	vst v4;
	v4 =	vadd.s32 v5, v6  }
0x144: {  	[tilespmem:$0x9D50] =	vst v4  }
0x145: {  	[tilespmem:s14], [sflag:$0x1] =	stream.indirect.gather [spmem:s1], $0x40, s12, s13, $0xb8;
	[tilespmem:$0x1EDA0] =	vst v63  }
0x146: {  	_ =	swait.ge [sflag:s8], $0x2000  }
0x147: {  	[sflag:s8] =	ssyncset.done $0x0  }
0x148: {  	s22 =	sadd.s32 $0xFFFFFFFF, s21;
	[sflag:s8] =	ssyncadd.s32 $0xFFFFE000  }
0x149: {  	[spmem:s2] =	stream.indirect.scatter.add.f32 [tilespmem:s14], [sflag:$0x3], $0x40, s15, s13, $0xb8;
	[tilespmem:$0x1EDA0] =	vst v63  }
0x14a: {  	s21 =	simm.s32 @!p0 $0x2;
	p1 =	sne.s32 s22, $0x0;
	_ =	swait.ge [sflag:s17], $0x2000  }
.Ltmp11:
0x14b: {  	s23 =	simm.s32 @!p0 $0xC9E0;
	[sflag:s17] =	ssyncset.done $0x0;
	(pc) =	sbr.rel @!p1 .LBB2_17-.Ltmp11, $4  }
0x14c: {  	s24 =	simm.s32 @!p0 $0x80;
	s25 =	simm.s32 @!p0 $0x9CE0;
	[sflag:s17] =	ssyncadd.s32 $0xFFFFE000  }
0x14d: {  	[spmem:s4] =	stream.indirect.scatter.add.f32 @!p0 [tilespmem:s23], [sflag:$0x2], $0x10, s25, s24, $0xb8;
	[tilespmem:$0x1EDA0] =	vst v63  }
0x14e: {  	_ =	swait.ge @!p0 [sflag:s21], $0x800  }
0x14f: {  	[sflag:s21] =	ssyncset.done @!p0 $0x0  }
.LBB2_16:
0x150: {  	s22 =	sadd.s32 $0xFFFFFFFF, s22;
	[sflag:s21] =	ssyncadd.s32 @!p0 $0xFFFFF800;
	s20 =	sadd.s32 $0x80, s20  }
0x151: {  	v4 =	vld [tilespmem:s20+$0xFFFFFFC0];
	p1 =	sne.s32 s22, $0x0;
	_ =	sdelay $0x4  }
0x152: {  	v5 =	vshrl.u32 v4, $0xE;
	v6 =	vand.u32 $0x3FFF, v4;
	v4 =	vshrl.u32 v4, $0x12  }
0x153: {  	v5 =	vand.u32 $0xF, v5  }
0x154: {  	v5 =	vmul.u32 $0x190, v5  }
0x155: {  	v6 =	vadd.s32 v3, v6  }
0x156: {  	v5 =	vadd.s32 v5, v6;
	[tilespmem:$0x9D60] =	vst v4  }
0x157: {  	[tilespmem:$0x9CE0] =	vst v5  }
0x158: {  	v4 =	vld [tilespmem:s20+$0xFFFFFFD0];
	_ =	sdelay $0x4  }
0x159: {  	v5 =	vshrl.u32 v4, $0xE;
	v6 =	vand.u32 $0x3FFF, v4;
	v4 =	vshrl.u32 v4, $0x12  }
0x15a: {  	v5 =	vand.u32 $0xF, v5  }
0x15b: {  	v5 =	vmul.u32 $0x190, v5  }
0x15c: {  	v6 =	vadd.s32 v3, v6  }
0x15d: {  	v5 =	vadd.s32 v5, v6;
	[tilespmem:$0x9D70] =	vst v4  }
0x15e: {  	[tilespmem:$0x9CF0] =	vst v5  }
0x15f: {  	v4 =	vld [tilespmem:s20+$0xFFFFFFE0];
	_ =	sdelay $0x4  }
0x160: {  	v5 =	vshrl.u32 v4, $0xE;
	v6 =	vand.u32 $0x3FFF, v4;
	v4 =	vshrl.u32 v4, $0x12  }
0x161: {  	v5 =	vand.u32 $0xF, v5  }
0x162: {  	v5 =	vmul.u32 $0x190, v5  }
0x163: {  	v6 =	vadd.s32 v3, v6  }
0x164: {  	v5 =	vadd.s32 v5, v6;
	[tilespmem:$0x9D80] =	vst v4  }
0x165: {  	[tilespmem:$0x9D00] =	vst v5  }
0x166: {  	v4 =	vld [tilespmem:s20+$0xFFFFFFF0];
	_ =	sdelay $0x4  }
0x167: {  	v5 =	vshrl.u32 v4, $0xE;
	v6 =	vand.u32 $0x3FFF, v4;
	v4 =	vshrl.u32 v4, $0x12  }
0x168: {  	v5 =	vand.u32 $0xF, v5  }
0x169: {  	v5 =	vmul.u32 $0x190, v5  }
0x16a: {  	v6 =	vadd.s32 v3, v6  }
0x16b: {  	v5 =	vadd.s32 v5, v6;
	[tilespmem:$0x9D90] =	vst v4  }
0x16c: {  	[tilespmem:$0x9D10] =	vst v5  }
0x16d: {  	v4 =	vld [tilespmem:s20+$0x0];
	_ =	sdelay $0x4  }
0x16e: {  	v5 =	vshrl.u32 v4, $0xE;
	v6 =	vand.u32 $0x3FFF, v4;
	v4 =	vshrl.u32 v4, $0x12  }
0x16f: {  	v5 =	vand.u32 $0xF, v5;
	[tilespmem:$0x9DA0] =	vst v4  }
0x170: {  	v4 =	vmul.u32 $0x190, v5  }
0x171: {  	v5 =	vadd.s32 v3, v6  }
0x172: {  	v4 =	vadd.s32 v4, v5  }
0x173: {  	[tilespmem:$0x9D20] =	vst v4  }
0x174: {  	v4 =	vld [tilespmem:s20+$0x10];
	_ =	sdelay $0x4  }
0x175: {  	v5 =	vshrl.u32 v4, $0xE;
	v6 =	vand.u32 $0x3FFF, v4;
	v4 =	vshrl.u32 v4, $0x12  }
0x176: {  	v5 =	vand.u32 $0xF, v5;
	[tilespmem:$0x9DB0] =	vst v4  }
0x177: {  	v4 =	vmul.u32 $0x190, v5  }
0x178: {  	v5 =	vadd.s32 v3, v6  }
0x179: {  	v4 =	vadd.s32 v4, v5  }
0x17a: {  	[tilespmem:$0x9D30] =	vst v4  }
0x17b: {  	v4 =	vld [tilespmem:s20+$0x20];
	_ =	sdelay $0x4  }
0x17c: {  	v5 =	vshrl.u32 v4, $0xE;
	v6 =	vand.u32 $0x3FFF, v4;
	v4 =	vshrl.u32 v4, $0x12  }
0x17d: {  	v5 =	vand.u32 $0xF, v5;
	[tilespmem:$0x9DC0] =	vst v4  }
0x17e: {  	v4 =	vmul.u32 $0x190, v5  }
0x17f: {  	v5 =	vadd.s32 v3, v6  }
0x180: {  	v4 =	vadd.s32 v4, v5  }
0x181: {  	[tilespmem:$0x9D40] =	vst v4  }
0x182: {  	v4 =	vld [tilespmem:s20+$0x30];
	_ =	sdelay $0x4  }
0x183: {  	v5 =	vshrl.u32 v4, $0xE;
	v6 =	vand.u32 $0x3FFF, v4;
	v4 =	vshrl.u32 v4, $0x12  }
0x184: {  	v5 =	vand.u32 $0xF, v5;
	[tilespmem:$0x9DD0] =	vst v4  }
0x185: {  	v4 =	vmul.u32 $0x190, v5  }
0x186: {  	v5 =	vadd.s32 v3, v6  }
0x187: {  	v4 =	vadd.s32 v4, v5  }
0x188: {  	[tilespmem:$0x9D50] =	vst v4  }
0x189: {  	[tilespmem:s14], [sflag:$0x1] =	stream.indirect.gather [spmem:s1], $0x40, s12, s13, $0xb8;
	[tilespmem:$0x1EDA0] =	vst v63  }
0x18a: {  	_ =	swait.ge [sflag:s8], $0x2000  }
0x18b: {  	[sflag:s8] =	ssyncset.done $0x0  }
0x18c: {  	[sflag:s8] =	ssyncadd.s32 $0xFFFFE000  }
0x18d: {  	[spmem:s2] =	stream.indirect.scatter.add.f32 [tilespmem:s14], [sflag:$0x3], $0x40, s15, s13, $0xb8;
	[tilespmem:$0x1EDA0] =	vst v63  }
0x18e: {  	_ =	swait.ge [sflag:s17], $0x2000  }
.Ltmp12:
0x18f: {  	[sflag:s17] =	ssyncset.done $0x0;
	(pc) =	sbr.rel @p1 .LBB2_16-.Ltmp12, $4  }
0x190: {  	[sflag:s17] =	ssyncadd.s32 $0xFFFFE000  }
0x191: {  	[spmem:s4] =	stream.indirect.scatter.add.f32 @!p0 [tilespmem:s23], [sflag:$0x2], $0x10, s25, s24, $0xb8;
	[tilespmem:$0x1EDA0] =	vst v63  }
0x192: {  	_ =	swait.ge @!p0 [sflag:s21], $0x800  }
0x193: {  	[sflag:s21] =	ssyncset.done @!p0 $0x0  }
.Ltmp13:
0x194: {  	_ = 	snop;
	(pc) =	sbr.rel .LBB2_17-.Ltmp13, $1  }
0x195: {  	_ =	sdelay $0x3  }
.LBB2_20:
0x196: {  	_ =	sfence.sel $0x180000  }
0x197: {  	[bflag:$0x0] =	sbarrier.arrive $0xFFFF  }
0x198: {  	_ =	strace $0x90000047  }
0x199: {  	s0 =	stileid.u32;
	[bflag:$0x2] =	sbarrier.arrive $0xFFFF  }
0x19a: {  	p0 =	sne.s32 s0, $0x0;
	s0 =	rddreg [dreg:$0x6]  }
0x19b: {  	s0 =	sadd.s32 @!p0 $0x100000, s0  }
0x19c: {  	[sflag:s0] =	ssyncadd.tile.s32 @!p0 $0x1;
	_ =	shalt  }
.Lfunc_end2:
_tile_overlayer_lowered:
.L_overlay_start_2:
0x19d: {  	(tag) =	ssettag $0x2  }
0x19e: {  	s0 =	rddreg [dreg:$0x0];
	s2 =	stileid.u32  }
0x19f: {  	s1 =	rddreg [dreg:$0x1];
	p0 =	sne.s32 s2, $0x0  }
0x1a0: {  	s3 =	rddreg [dreg:$0x2];
	[bflag:$0x3] =	sbarrier.arrive $0xFFFF;
	s2 =	simm.s32 @!p0 $0x1C02  }
0x1a1: {  	[timem:s3], [sflag:s2] =	dma.local @!p0 [hbm:s0], s1  }
0x1a2: {  	s0 =	simm.s32 @!p0 $0x2  }
0x1a3: {  	_ =	swait.ge @!p0 [sflag:s0], s1  }
0x1a4: {  	s1 =	ssub.s32 @!p0 $0x0, s1;
	[sflag:s0] =	ssyncset.done @!p0 $0x0  }
0x1a5: {  	[sflag:s0] =	ssyncadd.s32 @!p0 s1  }
0x1a6: {  	[bflag:$0x3] =	sbarrier.arrive $0xFFFF  }
0x1a7: {  	_ =	shalt  }

</sc_bundles>
